<compile_context>
chip_gen: v7x
topology: tpu7x:2x2x1
jax: 0.10.2.dev20260603
libtpu: 0.0.44.dev20260713+nightly
codegen_flags: <defaults>
</compile_context>

<pallas_src>
import functools

import jax
import jax.numpy as jnp
from jax import lax
from jax.experimental import pallas as pl
from jax.experimental.pallas import tpu as pltpu
from jax.experimental.pallas import tpu_sc as plsc

VOCAB = 100000
EMBED_DIM = 16

NC = 2
NSC = 16

IDX_PER_DMA = 128
K = 5
T = K * IDX_PER_DMA
S = 80
ROWS_PER_TEC_LOAD = VOCAB // NSC


def _sc_dual_gather(tables, idx):
  n = NSC * S * T
  mesh = plsc.VectorSubcoreMesh(core_axis_name="c", subcore_axis_name="s")

  @functools.partial(
      pl.kernel,
      out_type=jax.ShapeDtypeStruct((n, 2 * EMBED_DIM), jnp.float32),
      mesh=mesh,
      scratch_types=[
          pltpu.VMEM_SHARED((VOCAB, EMBED_DIM), jnp.float32),
          pltpu.VMEM((2, K, IDX_PER_DMA), jnp.int32),
          pltpu.VMEM((2, T, EMBED_DIM), jnp.float32),
          pltpu.SemaphoreType.DMA,
          pltpu.SemaphoreType.DMA,
          pltpu.SemaphoreType.DMA,
      ],
      compiler_params=pltpu.CompilerParams(use_tc_tiling_on_sc=False),
  )
  def k(tables_hbm, idx_hbm, out_hbm, table_sh, idx_v, rows_v,
        sem_g, sem_i, sem_w):
    cid = lax.axis_index("c")
    tid = lax.axis_index("s")

    slab = tid * ROWS_PER_TEC_LOAD
    pltpu.sync_copy(
        tables_hbm.at[pl.ds(cid * VOCAB + slab, ROWS_PER_TEC_LOAD)],
        table_sh.at[pl.ds(slab, ROWS_PER_TEC_LOAD)],
    )
    plsc.subcore_barrier()

    base = tid * S
    pltpu.async_copy(idx_hbm.at[cid, base], idx_v.at[0], sem_i)

    def wait_idx():
      pltpu.make_async_copy(idx_hbm.at[cid, base], idx_v.at[0], sem_i).wait()

    def wait_wb(blk):
      pltpu.make_async_copy(
          rows_v.at[0],
          out_hbm.at[pl.ds(blk * T, T), pl.ds(cid * EMBED_DIM, EMBED_DIM)],
          sem_w,
      ).wait()

    def gather_step(buf, blk):
      cps = [
          pltpu.async_copy(
              table_sh.at[idx_v.at[buf, j]],
              rows_v.at[buf, pl.ds(j * IDX_PER_DMA, IDX_PER_DMA)],
              sem_g,
          )
          for j in range(K)
      ]
      for c in cps:
        c.wait()
      pltpu.async_copy(
          rows_v.at[buf],
          out_hbm.at[pl.ds(blk * T, T), pl.ds(cid * EMBED_DIM, EMBED_DIM)],
          sem_w,
      )

    def body(i, carry):
      blk = base + 2 * i
      wait_idx()
      pltpu.async_copy(idx_hbm.at[cid, blk + 1], idx_v.at[1], sem_i)

      @pl.when(i >= 1)
      def _():
        wait_wb(blk)

      gather_step(0, blk)
      wait_idx()

      @pl.when(i < S // 2 - 1)
      def _():
        pltpu.async_copy(idx_hbm.at[cid, blk + 2], idx_v.at[0], sem_i)

      @pl.when(i >= 1)
      def _():
        wait_wb(blk)

      gather_step(1, blk + 1)
      return carry

    lax.fori_loop(0, S // 2, body, 0)
    wait_wb(base + S - 2)
    wait_wb(base + S - 1)

  return k(tables, idx)


def kernel(prefix_indices, suffix_indices, prefix_table, suffix_table):
  batch, hist = prefix_indices.shape
  pidx = prefix_indices.reshape(-1).astype(jnp.int32)
  sidx = suffix_indices.reshape(-1).astype(jnp.int32)
  comb = jnp.stack([pidx, sidx]).reshape(NC, NSC * S, K, IDX_PER_DMA)
  cat = jnp.concatenate([prefix_table, suffix_table], axis=0)
  out = _sc_dual_gather(cat, comb)
  return out.reshape(batch, hist, 2 * EMBED_DIM)

# --- scband reference (transcript-rebuilt; emitter-appended) ---
"""Pipeline reference for scband-affix-embeddings-34909494182383 (READ-ONLY COPY).

The authoritative reference and input builder live on the scoring server;
editing this copy changes nothing except your own understanding.
"""

import jax, jax.numpy as jnp
import numpy as np

NUM_PREFIXES = 100000
NUM_SUFFIXES = 100000
EMBED_DIM = 16
BATCH = 16384
HIST = 50

def setup_inputs(seed: int = 0) -> dict:
    key = jax.random.key(seed)
    k1, k2, k3, k4 = jax.random.split(key, 4)
    prefix_indices = jax.random.randint(k1, (BATCH, HIST), 0, NUM_PREFIXES, dtype=jnp.int64 if jax.config.jax_enable_x64 else jnp.int32)
    suffix_indices = jax.random.randint(k2, (BATCH, HIST), 0, NUM_SUFFIXES, dtype=jnp.int64 if jax.config.jax_enable_x64 else jnp.int32)
    prefix_table = jax.random.normal(k3, (NUM_PREFIXES, EMBED_DIM), dtype=jnp.float32) * 0.1
    suffix_table = jax.random.normal(k4, (NUM_SUFFIXES, EMBED_DIM), dtype=jnp.float32) * 0.1
    return {
        "prefix_indices": prefix_indices,
        "suffix_indices": suffix_indices,
        "prefix_table": prefix_table,
        "suffix_table": suffix_table,
    }

def reference(prefix_indices, suffix_indices, prefix_table, suffix_table):
    # forward_prefix: nn.Embedding lookup on prefix table
    prefix_emb = jnp.take(prefix_table, prefix_indices, axis=0)
    # forward_suffix: nn.Embedding lookup on suffix table
    suffix_emb = jnp.take(suffix_table, suffix_indices, axis=0)
    # combined output (prefix + suffix embeddings concatenated along feature dim)
    return jnp.concatenate([prefix_emb, suffix_emb], axis=-1)

if __name__ == "__main__":
    import jax
    _d = setup_inputs()
    print(jax.jit(kernel)(*tuple(_d.values())))

</pallas_src>

<mosaic_0001>
#map = affine_map<(d0, d1) -> (0, 0)>
#map1 = affine_map<(d0, d1) -> (0, 0, 0, 0)>
module attributes {stable_mosaic.version = 14 : i64} {
  func.func @k(%arg0: i32, %arg1: i32, %arg2: memref<200000x16xf32, #tpu.memory_space<hbm>>, %arg3: memref<2x1280x5x128xi32, #tpu.memory_space<hbm>>, %arg4: memref<819200x32xf32, #tpu.memory_space<hbm>>, %arg5: memref<100000x16xf32, #tpu.memory_space<vmem_shared>>, %arg6: memref<2x5x128xi32, #tpu.memory_space<vmem>>, %arg7: memref<2x640x16xf32, #tpu.memory_space<vmem>>, %arg8: memref<!tpu.dma_semaphore, #tpu.memory_space<semaphore_mem>>, %arg9: memref<!tpu.dma_semaphore, #tpu.memory_space<semaphore_mem>>, %arg10: memref<!tpu.dma_semaphore, #tpu.memory_space<semaphore_mem>>) attributes {dimension_semantics = [#tpu.dimension_semantics<core_parallel>, #tpu.dimension_semantics<subcore_parallel>], iteration_bounds = array<i64: 2, 16>, scalar_prefetch = 0 : i64, scratch_operands = 6 : i64, tpu.core_type = #tpu.core_type<sc_vector_subcore>, window_params = [{transform_indices = #map}, {transform_indices = #map1}, {transform_indices = #map}]} {
    %mul3A = arith.constant 6250 : i32
    %mul3A_0 = arith.muli %arg1, %mul3A : i32
    %mul3A_1 = arith.constant 100000 : i32
    %mul3A_2 = arith.muli %arg0, %mul3A_1 : i32
    %add3A = arith.addi %mul3A_2, %mul3A_0 : i32
    "tpu.region"() ({
      %run_scoped3A = tpu.sem_alloc : memref<!tpu.dma_semaphore, #tpu.memory_space<semaphore_mem>>
      %dma_start3A_62 = arith.constant 0 : i32
      %dma_start3A_63 = tpu.memref_slice %arg5[%mul3A_0, %dma_start3A_62] : memref<100000x16xf32, #tpu.memory_space<vmem_shared>> -> memref<6250x16xf32, #tpu.memory_space<vmem_shared>>
      %dma_start3A_64 = arith.constant 0 : i32
      %dma_start3A_65 = tpu.memref_slice %arg2[%add3A, %dma_start3A_64] : memref<200000x16xf32, #tpu.memory_space<hbm>> -> memref<6250x16xf32, #tpu.memory_space<hbm>>
      tpu.enqueue_dma source(%dma_start3A_65 : memref<6250x16xf32, #tpu.memory_space<hbm>>) target(%dma_start3A_63 : memref<6250x16xf32, #tpu.memory_space<vmem_shared>>) target_semaphore(%run_scoped3A : memref<!tpu.dma_semaphore, #tpu.memory_space<semaphore_mem>>)
      %dma_wait3A_66 = arith.constant 0 : i32
      %dma_wait3A_67 = tpu.memref_slice %arg5[%mul3A_0, %dma_wait3A_66] : memref<100000x16xf32, #tpu.memory_space<vmem_shared>> -> memref<6250x16xf32, #tpu.memory_space<vmem_shared>>
      %dma_wait3A_68 = arith.constant 0 : i32
      %dma_wait3A_69 = tpu.memref_slice %arg2[%add3A, %dma_wait3A_68] : memref<200000x16xf32, #tpu.memory_space<hbm>> -> memref<6250x16xf32, #tpu.memory_space<hbm>>
      tpu.wait_dma2 semaphore(%run_scoped3A : memref<!tpu.dma_semaphore, #tpu.memory_space<semaphore_mem>>) src(%dma_wait3A_69 : memref<6250x16xf32, #tpu.memory_space<hbm>>) dst(%dma_wait3A_67 : memref<6250x16xf32, #tpu.memory_space<vmem_shared>>)
      tpu.yield
    }) : () -> ()
    %barrier3A = arith.constant 0 : index
    tpu.barrier barrier_id(%barrier3A)
    %mul3A_3 = arith.constant 80 : i32
    %mul3A_4 = arith.muli %arg1, %mul3A_3 : i32
    %dma_start3A = arith.constant 0 : i32
    %dma_start3A_5 = arith.constant 0 : i32
    %dma_start3A_6 = arith.constant 0 : i32
    %dma_start3A_7 = tpu.memref_slice %arg6[%dma_start3A, %dma_start3A_5, %dma_start3A_6] : memref<2x5x128xi32, #tpu.memory_space<vmem>> -> memref<1x5x128xi32, #tpu.memory_space<vmem>>
    %dma_start3A_8 = tpu.memref_squeeze %dma_start3A_7 : memref<1x5x128xi32, #tpu.memory_space<vmem>> -> memref<5x128xi32, #tpu.memory_space<vmem>>
    %dma_start3A_9 = arith.constant 0 : i32
    %dma_start3A_10 = arith.constant 0 : i32
    %dma_start3A_11 = tpu.memref_slice %arg3[%arg0, %mul3A_4, %dma_start3A_9, %dma_start3A_10] : memref<2x1280x5x128xi32, #tpu.memory_space<hbm>> -> memref<1x1x5x128xi32, #tpu.memory_space<hbm>>
    %dma_start3A_12 = tpu.memref_squeeze %dma_start3A_11 : memref<1x1x5x128xi32, #tpu.memory_space<hbm>> -> memref<5x128xi32, #tpu.memory_space<hbm>>
    %dma_start3A_13 = arith.constant 0 : i32
    %dma_start3A_14 = arith.constant 0 : i32
    %dma_start3A_15 = tpu.memref_slice %arg6[%dma_start3A, %dma_start3A_13, %dma_start3A_14] : memref<2x5x128xi32, #tpu.memory_space<vmem>> -> memref<1x5x128xi32, #tpu.memory_space<vmem>>
    %dma_start3A_16 = tpu.memref_squeeze %dma_start3A_15 : memref<1x5x128xi32, #tpu.memory_space<vmem>> -> memref<5x128xi32, #tpu.memory_space<vmem>>
    %dma_start3A_17 = arith.constant 0 : i32
    %dma_start3A_18 = arith.constant 0 : i32
    %dma_start3A_19 = tpu.memref_slice %arg3[%arg0, %mul3A_4, %dma_start3A_17, %dma_start3A_18] : memref<2x1280x5x128xi32, #tpu.memory_space<hbm>> -> memref<1x1x5x128xi32, #tpu.memory_space<hbm>>
    %dma_start3A_20 = tpu.memref_squeeze %dma_start3A_19 : memref<1x1x5x128xi32, #tpu.memory_space<hbm>> -> memref<5x128xi32, #tpu.memory_space<hbm>>
    tpu.enqueue_dma source(%dma_start3A_20 : memref<5x128xi32, #tpu.memory_space<hbm>>) target(%dma_start3A_16 : memref<5x128xi32, #tpu.memory_space<vmem>>) target_semaphore(%arg9 : memref<!tpu.dma_semaphore, #tpu.memory_space<semaphore_mem>>)
    %scan3A = arith.constant 0 : i32
    %scan3A_21 = arith.constant 0 : i32
    %scan3A_22 = arith.constant 40 : i32
    %scan3A_23 = arith.addi %scan3A_21, %scan3A_22 : i32
    %scan3A_24 = arith.constant 1 : i32
    scf.for %scan3A_62 = %scan3A_21 to %scan3A_23 step %scan3A_24  : i32 {
      %mul3A_63 = arith.constant 2 : i32
      %mul3A_64 = arith.muli %mul3A_63, %scan3A_62 : i32
      %add3A_65 = arith.addi %mul3A_4, %mul3A_64 : i32
      %dma_wait3A_66 = arith.constant 0 : i32
      %dma_wait3A_67 = arith.constant 0 : i32
      %dma_wait3A_68 = arith.constant 0 : i32
      %dma_wait3A_69 = tpu.memref_slice %arg6[%dma_wait3A_66, %dma_wait3A_67, %dma_wait3A_68] : memref<2x5x128xi32, #tpu.memory_space<vmem>> -> memref<1x5x128xi32, #tpu.memory_space<vmem>>
      %dma_wait3A_70 = tpu.memref_squeeze %dma_wait3A_69 : memref<1x5x128xi32, #tpu.memory_space<vmem>> -> memref<5x128xi32, #tpu.memory_space<vmem>>
      %dma_wait3A_71 = arith.constant 0 : i32
      %dma_wait3A_72 = arith.constant 0 : i32
      %dma_wait3A_73 = tpu.memref_slice %arg3[%arg0, %mul3A_4, %dma_wait3A_71, %dma_wait3A_72] : memref<2x1280x5x128xi32, #tpu.memory_space<hbm>> -> memref<1x1x5x128xi32, #tpu.memory_space<hbm>>
      %dma_wait3A_74 = tpu.memref_squeeze %dma_wait3A_73 : memref<1x1x5x128xi32, #tpu.memory_space<hbm>> -> memref<5x128xi32, #tpu.memory_space<hbm>>
      %dma_wait3A_75 = arith.constant 0 : i32
      %dma_wait3A_76 = arith.constant 0 : i32
      %dma_wait3A_77 = tpu.memref_slice %arg6[%dma_wait3A_66, %dma_wait3A_75, %dma_wait3A_76] : memref<2x5x128xi32, #tpu.memory_space<vmem>> -> memref<1x5x128xi32, #tpu.memory_space<vmem>>
      %dma_wait3A_78 = tpu.memref_squeeze %dma_wait3A_77 : memref<1x5x128xi32, #tpu.memory_space<vmem>> -> memref<5x128xi32, #tpu.memory_space<vmem>>
      %dma_wait3A_79 = arith.constant 0 : i32
      %dma_wait3A_80 = arith.constant 0 : i32
      %dma_wait3A_81 = tpu.memref_slice %arg3[%arg0, %mul3A_4, %dma_wait3A_79, %dma_wait3A_80] : memref<2x1280x5x128xi32, #tpu.memory_space<hbm>> -> memref<1x1x5x128xi32, #tpu.memory_space<hbm>>
      %dma_wait3A_82 = tpu.memref_squeeze %dma_wait3A_81 : memref<1x1x5x128xi32, #tpu.memory_space<hbm>> -> memref<5x128xi32, #tpu.memory_space<hbm>>
      tpu.wait_dma2 semaphore(%arg9 : memref<!tpu.dma_semaphore, #tpu.memory_space<semaphore_mem>>) src(%dma_wait3A_82 : memref<5x128xi32, #tpu.memory_space<hbm>>) dst(%dma_wait3A_78 : memref<5x128xi32, #tpu.memory_space<vmem>>)
      %add3A_83 = arith.constant 1 : i32
      %add3A_84 = arith.addi %add3A_65, %add3A_83 : i32
      %dma_start3A_85 = arith.constant 1 : i32
      %dma_start3A_86 = arith.constant 0 : i32
      %dma_start3A_87 = arith.constant 0 : i32
      %dma_start3A_88 = tpu.memref_slice %arg6[%dma_start3A_85, %dma_start3A_86, %dma_start3A_87] : memref<2x5x128xi32, #tpu.memory_space<vmem>> -> memref<1x5x128xi32, #tpu.memory_space<vmem>>
      %dma_start3A_89 = tpu.memref_squeeze %dma_start3A_88 : memref<1x5x128xi32, #tpu.memory_space<vmem>> -> memref<5x128xi32, #tpu.memory_space<vmem>>
      %dma_start3A_90 = arith.constant 0 : i32
      %dma_start3A_91 = arith.constant 0 : i32
      %dma_start3A_92 = tpu.memref_slice %arg3[%arg0, %add3A_84, %dma_start3A_90, %dma_start3A_91] : memref<2x1280x5x128xi32, #tpu.memory_space<hbm>> -> memref<1x1x5x128xi32, #tpu.memory_space<hbm>>
      %dma_start3A_93 = tpu.memref_squeeze %dma_start3A_92 : memref<1x1x5x128xi32, #tpu.memory_space<hbm>> -> memref<5x128xi32, #tpu.memory_space<hbm>>
      %dma_start3A_94 = arith.constant 0 : i32
      %dma_start3A_95 = arith.constant 0 : i32
      %dma_start3A_96 = tpu.memref_slice %arg6[%dma_start3A_85, %dma_start3A_94, %dma_start3A_95] : memref<2x5x128xi32, #tpu.memory_space<vmem>> -> memref<1x5x128xi32, #tpu.memory_space<vmem>>
      %dma_start3A_97 = tpu.memref_squeeze %dma_start3A_96 : memref<1x5x128xi32, #tpu.memory_space<vmem>> -> memref<5x128xi32, #tpu.memory_space<vmem>>
      %dma_start3A_98 = arith.constant 0 : i32
      %dma_start3A_99 = arith.constant 0 : i32
      %dma_start3A_100 = tpu.memref_slice %arg3[%arg0, %add3A_84, %dma_start3A_98, %dma_start3A_99] : memref<2x1280x5x128xi32, #tpu.memory_space<hbm>> -> memref<1x1x5x128xi32, #tpu.memory_space<hbm>>
      %dma_start3A_101 = tpu.memref_squeeze %dma_start3A_100 : memref<1x1x5x128xi32, #tpu.memory_space<hbm>> -> memref<5x128xi32, #tpu.memory_space<hbm>>
      tpu.enqueue_dma source(%dma_start3A_101 : memref<5x128xi32, #tpu.memory_space<hbm>>) target(%dma_start3A_97 : memref<5x128xi32, #tpu.memory_space<vmem>>) target_semaphore(%arg9 : memref<!tpu.dma_semaphore, #tpu.memory_space<semaphore_mem>>)
      %ge3A = arith.constant 1 : i32
      %ge3A_102 = arith.cmpi sge, %scan3A_62, %ge3A : i32
      %convert_element_type3A = arith.extui %ge3A_102 : i1 to i32
      %cond3A = arith.constant 0 : i32
      %cond3A_103 = arith.cmpi ne, %convert_element_type3A, %cond3A : i32
      scf.if %cond3A_103 {
        %mul3A_422 = arith.constant 640 : i32
        %mul3A_423 = arith.muli %add3A_65, %mul3A_422 : i32
        %mul3A_424 = arith.constant 16 : i32
        %mul3A_425 = arith.muli %arg0, %mul3A_424 : i32
        %dma_wait3A_426 = arith.constant 0 : i32
        %dma_wait3A_427 = arith.constant 0 : i32
        %dma_wait3A_428 = arith.constant 0 : i32
        %dma_wait3A_429 = tpu.memref_slice %arg7[%dma_wait3A_426, %dma_wait3A_427, %dma_wait3A_428] : memref<2x640x16xf32, #tpu.memory_space<vmem>> -> memref<1x640x16xf32, #tpu.memory_space<vmem>>
        %dma_wait3A_430 = tpu.memref_squeeze %dma_wait3A_429 : memref<1x640x16xf32, #tpu.memory_space<vmem>> -> memref<640x16xf32, #tpu.memory_space<vmem>>
        %dma_wait3A_431 = tpu.memref_slice %arg4[%mul3A_423, %mul3A_425] : memref<819200x32xf32, #tpu.memory_space<hbm>> -> memref<640x16xf32, #tpu.memory_space<hbm>>
        %dma_wait3A_432 = tpu.memref_slice %arg4[%mul3A_423, %mul3A_425] : memref<819200x32xf32, #tpu.memory_space<hbm>> -> memref<640x16xf32, #tpu.memory_space<hbm>>
        %dma_wait3A_433 = arith.constant 0 : i32
        %dma_wait3A_434 = arith.constant 0 : i32
        %dma_wait3A_435 = tpu.memref_slice %arg7[%dma_wait3A_426, %dma_wait3A_433, %dma_wait3A_434] : memref<2x640x16xf32, #tpu.memory_space<vmem>> -> memref<1x640x16xf32, #tpu.memory_space<vmem>>
        %dma_wait3A_436 = tpu.memref_squeeze %dma_wait3A_435 : memref<1x640x16xf32, #tpu.memory_space<vmem>> -> memref<640x16xf32, #tpu.memory_space<vmem>>
        tpu.wait_dma2 semaphore(%arg10 : memref<!tpu.dma_semaphore, #tpu.memory_space<semaphore_mem>>) src(%dma_wait3A_436 : memref<640x16xf32, #tpu.memory_space<vmem>>) dst(%dma_wait3A_432 : memref<640x16xf32, #tpu.memory_space<hbm>>)
      } else {
      }
      %dma_start3A_104 = arith.constant 0 : i32
      %dma_start3A_105 = arith.constant 0 : i32
      %dma_start3A_106 = arith.constant 0 : i32
      %dma_start3A_107 = arith.constant 0 : i32
      %dma_start3A_108 = arith.constant 0 : i32
      %dma_start3A_109 = tpu.memref_slice %arg7[%dma_start3A_106, %dma_start3A_107, %dma_start3A_108] : memref<2x640x16xf32, #tpu.memory_space<vmem>> -> memref<1x128x16xf32, #tpu.memory_space<vmem>>
      %dma_start3A_110 = tpu.memref_squeeze %dma_start3A_109 : memref<1x128x16xf32, #tpu.memory_space<vmem>> -> memref<128x16xf32, #tpu.memory_space<vmem>>
      %dma_start3A_111 = arith.constant 0 : i32
      %dma_start3A_112 = tpu.memref_slice %arg6[%dma_start3A_104, %dma_start3A_105, %dma_start3A_111] : memref<2x5x128xi32, #tpu.memory_space<vmem>> -> memref<1x1x128xi32, #tpu.memory_space<vmem>>
      %dma_start3A_113 = tpu.memref_squeeze %dma_start3A_112 : memref<1x1x128xi32, #tpu.memory_space<vmem>> -> memref<128xi32, #tpu.memory_space<vmem>>
      %dma_start3A_114 = arith.constant 0 : i32
      %dma_start3A_115 = arith.constant 0 : i32
      %dma_start3A_116 = tpu.memref_slice %arg5[%dma_start3A_114, %dma_start3A_115] : memref<100000x16xf32, #tpu.memory_space<vmem_shared>> -> memref<100000x16xf32, #tpu.memory_space<vmem_shared>>
      tpu.enqueue_indirect_dma source(%dma_start3A_116 : memref<100000x16xf32, #tpu.memory_space<vmem_shared>>) target(%dma_start3A_110 : memref<128x16xf32, #tpu.memory_space<vmem>>) offsets(%dma_start3A_113 : memref<128xi32, #tpu.memory_space<vmem>>) semaphore(%arg8 : memref<!tpu.dma_semaphore, #tpu.memory_space<semaphore_mem>>)
      %dma_start3A_117 = arith.constant 0 : i32
      %dma_start3A_118 = arith.constant 1 : i32
      %dma_start3A_119 = arith.constant 0 : i32
      %dma_start3A_120 = arith.constant 128 : i32
      %dma_start3A_121 = arith.constant 0 : i32
      %dma_start3A_122 = tpu.memref_slice %arg7[%dma_start3A_119, %dma_start3A_120, %dma_start3A_121] : memref<2x640x16xf32, #tpu.memory_space<vmem>> -> memref<1x128x16xf32, #tpu.memory_space<vmem>>
      %dma_start3A_123 = tpu.memref_squeeze %dma_start3A_122 : memref<1x128x16xf32, #tpu.memory_space<vmem>> -> memref<128x16xf32, #tpu.memory_space<vmem>>
      %dma_start3A_124 = arith.constant 0 : i32
      %dma_start3A_125 = tpu.memref_slice %arg6[%dma_start3A_117, %dma_start3A_118, %dma_start3A_124] : memref<2x5x128xi32, #tpu.memory_space<vmem>> -> memref<1x1x128xi32, #tpu.memory_space<vmem>>
      %dma_start3A_126 = tpu.memref_squeeze %dma_start3A_125 : memref<1x1x128xi32, #tpu.memory_space<vmem>> -> memref<128xi32, #tpu.memory_space<vmem>>
      %dma_start3A_127 = arith.constant 0 : i32
      %dma_start3A_128 = arith.constant 0 : i32
      %dma_start3A_129 = tpu.memref_slice %arg5[%dma_start3A_127, %dma_start3A_128] : memref<100000x16xf32, #tpu.memory_space<vmem_shared>> -> memref<100000x16xf32, #tpu.memory_space<vmem_shared>>
      tpu.enqueue_indirect_dma source(%dma_start3A_129 : memref<100000x16xf32, #tpu.memory_space<vmem_shared>>) target(%dma_start3A_123 : memref<128x16xf32, #tpu.memory_space<vmem>>) offsets(%dma_start3A_126 : memref<128xi32, #tpu.memory_space<vmem>>) semaphore(%arg8 : memref<!tpu.dma_semaphore, #tpu.memory_space<semaphore_mem>>)
      %dma_start3A_130 = arith.constant 0 : i32
      %dma_start3A_131 = arith.constant 2 : i32
      %dma_start3A_132 = arith.constant 0 : i32
      %dma_start3A_133 = arith.constant 256 : i32
      %dma_start3A_134 = arith.constant 0 : i32
      %dma_start3A_135 = tpu.memref_slice %arg7[%dma_start3A_132, %dma_start3A_133, %dma_start3A_134] : memref<2x640x16xf32, #tpu.memory_space<vmem>> -> memref<1x128x16xf32, #tpu.memory_space<vmem>>
      %dma_start3A_136 = tpu.memref_squeeze %dma_start3A_135 : memref<1x128x16xf32, #tpu.memory_space<vmem>> -> memref<128x16xf32, #tpu.memory_space<vmem>>
      %dma_start3A_137 = arith.constant 0 : i32
      %dma_start3A_138 = tpu.memref_slice %arg6[%dma_start3A_130, %dma_start3A_131, %dma_start3A_137] : memref<2x5x128xi32, #tpu.memory_space<vmem>> -> memref<1x1x128xi32, #tpu.memory_space<vmem>>
      %dma_start3A_139 = tpu.memref_squeeze %dma_start3A_138 : memref<1x1x128xi32, #tpu.memory_space<vmem>> -> memref<128xi32, #tpu.memory_space<vmem>>
      %dma_start3A_140 = arith.constant 0 : i32
      %dma_start3A_141 = arith.constant 0 : i32
      %dma_start3A_142 = tpu.memref_slice %arg5[%dma_start3A_140, %dma_start3A_141] : memref<100000x16xf32, #tpu.memory_space<vmem_shared>> -> memref<100000x16xf32, #tpu.memory_space<vmem_shared>>
      tpu.enqueue_indirect_dma source(%dma_start3A_142 : memref<100000x16xf32, #tpu.memory_space<vmem_shared>>) target(%dma_start3A_136 : memref<128x16xf32, #tpu.memory_space<vmem>>) offsets(%dma_start3A_139 : memref<128xi32, #tpu.memory_space<vmem>>) semaphore(%arg8 : memref<!tpu.dma_semaphore, #tpu.memory_space<semaphore_mem>>)
      %dma_start3A_143 = arith.constant 0 : i32
      %dma_start3A_144 = arith.constant 3 : i32
      %dma_start3A_145 = arith.constant 0 : i32
      %dma_start3A_146 = arith.constant 384 : i32
      %dma_start3A_147 = arith.constant 0 : i32
      %dma_start3A_148 = tpu.memref_slice %arg7[%dma_start3A_145, %dma_start3A_146, %dma_start3A_147] : memref<2x640x16xf32, #tpu.memory_space<vmem>> -> memref<1x128x16xf32, #tpu.memory_space<vmem>>
      %dma_start3A_149 = tpu.memref_squeeze %dma_start3A_148 : memref<1x128x16xf32, #tpu.memory_space<vmem>> -> memref<128x16xf32, #tpu.memory_space<vmem>>
      %dma_start3A_150 = arith.constant 0 : i32
      %dma_start3A_151 = tpu.memref_slice %arg6[%dma_start3A_143, %dma_start3A_144, %dma_start3A_150] : memref<2x5x128xi32, #tpu.memory_space<vmem>> -> memref<1x1x128xi32, #tpu.memory_space<vmem>>
      %dma_start3A_152 = tpu.memref_squeeze %dma_start3A_151 : memref<1x1x128xi32, #tpu.memory_space<vmem>> -> memref<128xi32, #tpu.memory_space<vmem>>
      %dma_start3A_153 = arith.constant 0 : i32
      %dma_start3A_154 = arith.constant 0 : i32
      %dma_start3A_155 = tpu.memref_slice %arg5[%dma_start3A_153, %dma_start3A_154] : memref<100000x16xf32, #tpu.memory_space<vmem_shared>> -> memref<100000x16xf32, #tpu.memory_space<vmem_shared>>
      tpu.enqueue_indirect_dma source(%dma_start3A_155 : memref<100000x16xf32, #tpu.memory_space<vmem_shared>>) target(%dma_start3A_149 : memref<128x16xf32, #tpu.memory_space<vmem>>) offsets(%dma_start3A_152 : memref<128xi32, #tpu.memory_space<vmem>>) semaphore(%arg8 : memref<!tpu.dma_semaphore, #tpu.memory_space<semaphore_mem>>)
      %dma_start3A_156 = arith.constant 0 : i32
      %dma_start3A_157 = arith.constant 4 : i32
      %dma_start3A_158 = arith.constant 0 : i32
      %dma_start3A_159 = arith.constant 512 : i32
      %dma_start3A_160 = arith.constant 0 : i32
      %dma_start3A_161 = tpu.memref_slice %arg7[%dma_start3A_158, %dma_start3A_159, %dma_start3A_160] : memref<2x640x16xf32, #tpu.memory_space<vmem>> -> memref<1x128x16xf32, #tpu.memory_space<vmem>>
      %dma_start3A_162 = tpu.memref_squeeze %dma_start3A_161 : memref<1x128x16xf32, #tpu.memory_space<vmem>> -> memref<128x16xf32, #tpu.memory_space<vmem>>
      %dma_start3A_163 = arith.constant 0 : i32
      %dma_start3A_164 = tpu.memref_slice %arg6[%dma_start3A_156, %dma_start3A_157, %dma_start3A_163] : memref<2x5x128xi32, #tpu.memory_space<vmem>> -> memref<1x1x128xi32, #tpu.memory_space<vmem>>
      %dma_start3A_165 = tpu.memref_squeeze %dma_start3A_164 : memref<1x1x128xi32, #tpu.memory_space<vmem>> -> memref<128xi32, #tpu.memory_space<vmem>>
      %dma_start3A_166 = arith.constant 0 : i32
      %dma_start3A_167 = arith.constant 0 : i32
      %dma_start3A_168 = tpu.memref_slice %arg5[%dma_start3A_166, %dma_start3A_167] : memref<100000x16xf32, #tpu.memory_space<vmem_shared>> -> memref<100000x16xf32, #tpu.memory_space<vmem_shared>>
      tpu.enqueue_indirect_dma source(%dma_start3A_168 : memref<100000x16xf32, #tpu.memory_space<vmem_shared>>) target(%dma_start3A_162 : memref<128x16xf32, #tpu.memory_space<vmem>>) offsets(%dma_start3A_165 : memref<128xi32, #tpu.memory_space<vmem>>) semaphore(%arg8 : memref<!tpu.dma_semaphore, #tpu.memory_space<semaphore_mem>>)
      %dma_wait3A_169 = arith.constant 0 : i32
      %dma_wait3A_170 = arith.constant 0 : i32
      %dma_wait3A_171 = arith.constant 0 : i32
      %dma_wait3A_172 = arith.constant 0 : i32
      %dma_wait3A_173 = arith.constant 0 : i32
      %dma_wait3A_174 = tpu.memref_slice %arg7[%dma_wait3A_171, %dma_wait3A_172, %dma_wait3A_173] : memref<2x640x16xf32, #tpu.memory_space<vmem>> -> memref<1x128x16xf32, #tpu.memory_space<vmem>>
      %dma_wait3A_175 = tpu.memref_squeeze %dma_wait3A_174 : memref<1x128x16xf32, #tpu.memory_space<vmem>> -> memref<128x16xf32, #tpu.memory_space<vmem>>
      %dma_wait3A_176 = arith.constant 0 : i32
      %dma_wait3A_177 = tpu.memref_slice %arg6[%dma_wait3A_169, %dma_wait3A_170, %dma_wait3A_176] : memref<2x5x128xi32, #tpu.memory_space<vmem>> -> memref<1x1x128xi32, #tpu.memory_space<vmem>>
      %dma_wait3A_178 = tpu.memref_squeeze %dma_wait3A_177 : memref<1x1x128xi32, #tpu.memory_space<vmem>> -> memref<128xi32, #tpu.memory_space<vmem>>
      %dma_wait3A_179 = arith.constant 0 : i32
      %dma_wait3A_180 = arith.constant 0 : i32
      %dma_wait3A_181 = tpu.memref_slice %arg5[%dma_wait3A_179, %dma_wait3A_180] : memref<100000x16xf32, #tpu.memory_space<vmem_shared>> -> memref<100000x16xf32, #tpu.memory_space<vmem_shared>>
      tpu.wait_indirect_dma semaphore(%arg8 : memref<!tpu.dma_semaphore, #tpu.memory_space<semaphore_mem>>) src(%dma_wait3A_181 : memref<100000x16xf32, #tpu.memory_space<vmem_shared>>) dst(%dma_wait3A_175 : memref<128x16xf32, #tpu.memory_space<vmem>>)
      %dma_wait3A_182 = arith.constant 0 : i32
      %dma_wait3A_183 = arith.constant 1 : i32
      %dma_wait3A_184 = arith.constant 0 : i32
      %dma_wait3A_185 = arith.constant 128 : i32
      %dma_wait3A_186 = arith.constant 0 : i32
      %dma_wait3A_187 = tpu.memref_slice %arg7[%dma_wait3A_184, %dma_wait3A_185, %dma_wait3A_186] : memref<2x640x16xf32, #tpu.memory_space<vmem>> -> memref<1x128x16xf32, #tpu.memory_space<vmem>>
      %dma_wait3A_188 = tpu.memref_squeeze %dma_wait3A_187 : memref<1x128x16xf32, #tpu.memory_space<vmem>> -> memref<128x16xf32, #tpu.memory_space<vmem>>
      %dma_wait3A_189 = arith.constant 0 : i32
      %dma_wait3A_190 = tpu.memref_slice %arg6[%dma_wait3A_182, %dma_wait3A_183, %dma_wait3A_189] : memref<2x5x128xi32, #tpu.memory_space<vmem>> -> memref<1x1x128xi32, #tpu.memory_space<vmem>>
      %dma_wait3A_191 = tpu.memref_squeeze %dma_wait3A_190 : memref<1x1x128xi32, #tpu.memory_space<vmem>> -> memref<128xi32, #tpu.memory_space<vmem>>
      %dma_wait3A_192 = arith.constant 0 : i32
      %dma_wait3A_193 = arith.constant 0 : i32
      %dma_wait3A_194 = tpu.memref_slice %arg5[%dma_wait3A_192, %dma_wait3A_193] : memref<100000x16xf32, #tpu.memory_space<vmem_shared>> -> memref<100000x16xf32, #tpu.memory_space<vmem_shared>>
      tpu.wait_indirect_dma semaphore(%arg8 : memref<!tpu.dma_semaphore, #tpu.memory_space<semaphore_mem>>) src(%dma_wait3A_194 : memref<100000x16xf32, #tpu.memory_space<vmem_shared>>) dst(%dma_wait3A_188 : memref<128x16xf32, #tpu.memory_space<vmem>>)
      %dma_wait3A_195 = arith.constant 0 : i32
      %dma_wait3A_196 = arith.constant 2 : i32
      %dma_wait3A_197 = arith.constant 0 : i32
      %dma_wait3A_198 = arith.constant 256 : i32
      %dma_wait3A_199 = arith.constant 0 : i32
      %dma_wait3A_200 = tpu.memref_slice %arg7[%dma_wait3A_197, %dma_wait3A_198, %dma_wait3A_199] : memref<2x640x16xf32, #tpu.memory_space<vmem>> -> memref<1x128x16xf32, #tpu.memory_space<vmem>>
      %dma_wait3A_201 = tpu.memref_squeeze %dma_wait3A_200 : memref<1x128x16xf32, #tpu.memory_space<vmem>> -> memref<128x16xf32, #tpu.memory_space<vmem>>
      %dma_wait3A_202 = arith.constant 0 : i32
      %dma_wait3A_203 = tpu.memref_slice %arg6[%dma_wait3A_195, %dma_wait3A_196, %dma_wait3A_202] : memref<2x5x128xi32, #tpu.memory_space<vmem>> -> memref<1x1x128xi32, #tpu.memory_space<vmem>>
      %dma_wait3A_204 = tpu.memref_squeeze %dma_wait3A_203 : memref<1x1x128xi32, #tpu.memory_space<vmem>> -> memref<128xi32, #tpu.memory_space<vmem>>
      %dma_wait3A_205 = arith.constant 0 : i32
      %dma_wait3A_206 = arith.constant 0 : i32
      %dma_wait3A_207 = tpu.memref_slice %arg5[%dma_wait3A_205, %dma_wait3A_206] : memref<100000x16xf32, #tpu.memory_space<vmem_shared>> -> memref<100000x16xf32, #tpu.memory_space<vmem_shared>>
      tpu.wait_indirect_dma semaphore(%arg8 : memref<!tpu.dma_semaphore, #tpu.memory_space<semaphore_mem>>) src(%dma_wait3A_207 : memref<100000x16xf32, #tpu.memory_space<vmem_shared>>) dst(%dma_wait3A_201 : memref<128x16xf32, #tpu.memory_space<vmem>>)
      %dma_wait3A_208 = arith.constant 0 : i32
      %dma_wait3A_209 = arith.constant 3 : i32
      %dma_wait3A_210 = arith.constant 0 : i32
      %dma_wait3A_211 = arith.constant 384 : i32
      %dma_wait3A_212 = arith.constant 0 : i32
      %dma_wait3A_213 = tpu.memref_slice %arg7[%dma_wait3A_210, %dma_wait3A_211, %dma_wait3A_212] : memref<2x640x16xf32, #tpu.memory_space<vmem>> -> memref<1x128x16xf32, #tpu.memory_space<vmem>>
      %dma_wait3A_214 = tpu.memref_squeeze %dma_wait3A_213 : memref<1x128x16xf32, #tpu.memory_space<vmem>> -> memref<128x16xf32, #tpu.memory_space<vmem>>
      %dma_wait3A_215 = arith.constant 0 : i32
      %dma_wait3A_216 = tpu.memref_slice %arg6[%dma_wait3A_208, %dma_wait3A_209, %dma_wait3A_215] : memref<2x5x128xi32, #tpu.memory_space<vmem>> -> memref<1x1x128xi32, #tpu.memory_space<vmem>>
      %dma_wait3A_217 = tpu.memref_squeeze %dma_wait3A_216 : memref<1x1x128xi32, #tpu.memory_space<vmem>> -> memref<128xi32, #tpu.memory_space<vmem>>
      %dma_wait3A_218 = arith.constant 0 : i32
      %dma_wait3A_219 = arith.constant 0 : i32
      %dma_wait3A_220 = tpu.memref_slice %arg5[%dma_wait3A_218, %dma_wait3A_219] : memref<100000x16xf32, #tpu.memory_space<vmem_shared>> -> memref<100000x16xf32, #tpu.memory_space<vmem_shared>>
      tpu.wait_indirect_dma semaphore(%arg8 : memref<!tpu.dma_semaphore, #tpu.memory_space<semaphore_mem>>) src(%dma_wait3A_220 : memref<100000x16xf32, #tpu.memory_space<vmem_shared>>) dst(%dma_wait3A_214 : memref<128x16xf32, #tpu.memory_space<vmem>>)
      %dma_wait3A_221 = arith.constant 0 : i32
      %dma_wait3A_222 = arith.constant 4 : i32
      %dma_wait3A_223 = arith.constant 0 : i32
      %dma_wait3A_224 = arith.constant 512 : i32
      %dma_wait3A_225 = arith.constant 0 : i32
      %dma_wait3A_226 = tpu.memref_slice %arg7[%dma_wait3A_223, %dma_wait3A_224, %dma_wait3A_225] : memref<2x640x16xf32, #tpu.memory_space<vmem>> -> memref<1x128x16xf32, #tpu.memory_space<vmem>>
      %dma_wait3A_227 = tpu.memref_squeeze %dma_wait3A_226 : memref<1x128x16xf32, #tpu.memory_space<vmem>> -> memref<128x16xf32, #tpu.memory_space<vmem>>
      %dma_wait3A_228 = arith.constant 0 : i32
      %dma_wait3A_229 = tpu.memref_slice %arg6[%dma_wait3A_221, %dma_wait3A_222, %dma_wait3A_228] : memref<2x5x128xi32, #tpu.memory_space<vmem>> -> memref<1x1x128xi32, #tpu.memory_space<vmem>>
      %dma_wait3A_230 = tpu.memref_squeeze %dma_wait3A_229 : memref<1x1x128xi32, #tpu.memory_space<vmem>> -> memref<128xi32, #tpu.memory_space<vmem>>
      %dma_wait3A_231 = arith.constant 0 : i32
      %dma_wait3A_232 = arith.constant 0 : i32
      %dma_wait3A_233 = tpu.memref_slice %arg5[%dma_wait3A_231, %dma_wait3A_232] : memref<100000x16xf32, #tpu.memory_space<vmem_shared>> -> memref<100000x16xf32, #tpu.memory_space<vmem_shared>>
      tpu.wait_indirect_dma semaphore(%arg8 : memref<!tpu.dma_semaphore, #tpu.memory_space<semaphore_mem>>) src(%dma_wait3A_233 : memref<100000x16xf32, #tpu.memory_space<vmem_shared>>) dst(%dma_wait3A_227 : memref<128x16xf32, #tpu.memory_space<vmem>>)
      %mul3A_234 = arith.constant 640 : i32
      %mul3A_235 = arith.muli %add3A_65, %mul3A_234 : i32
      %mul3A_236 = arith.constant 16 : i32
      %mul3A_237 = arith.muli %arg0, %mul3A_236 : i32
      %dma_start3A_238 = arith.constant 0 : i32
      %dma_start3A_239 = arith.constant 0 : i32
      %dma_start3A_240 = arith.constant 0 : i32
      %dma_start3A_241 = tpu.memref_slice %arg7[%dma_start3A_238, %dma_start3A_239, %dma_start3A_240] : memref<2x640x16xf32, #tpu.memory_space<vmem>> -> memref<1x640x16xf32, #tpu.memory_space<vmem>>
      %dma_start3A_242 = tpu.memref_squeeze %dma_start3A_241 : memref<1x640x16xf32, #tpu.memory_space<vmem>> -> memref<640x16xf32, #tpu.memory_space<vmem>>
      %dma_start3A_243 = tpu.memref_slice %arg4[%mul3A_235, %mul3A_237] : memref<819200x32xf32, #tpu.memory_space<hbm>> -> memref<640x16xf32, #tpu.memory_space<hbm>>
      %dma_start3A_244 = tpu.memref_slice %arg4[%mul3A_235, %mul3A_237] : memref<819200x32xf32, #tpu.memory_space<hbm>> -> memref<640x16xf32, #tpu.memory_space<hbm>>
      %dma_start3A_245 = arith.constant 0 : i32
      %dma_start3A_246 = arith.constant 0 : i32
      %dma_start3A_247 = tpu.memref_slice %arg7[%dma_start3A_238, %dma_start3A_245, %dma_start3A_246] : memref<2x640x16xf32, #tpu.memory_space<vmem>> -> memref<1x640x16xf32, #tpu.memory_space<vmem>>
      %dma_start3A_248 = tpu.memref_squeeze %dma_start3A_247 : memref<1x640x16xf32, #tpu.memory_space<vmem>> -> memref<640x16xf32, #tpu.memory_space<vmem>>
      tpu.enqueue_dma source(%dma_start3A_248 : memref<640x16xf32, #tpu.memory_space<vmem>>) target(%dma_start3A_244 : memref<640x16xf32, #tpu.memory_space<hbm>>) target_semaphore(%arg10 : memref<!tpu.dma_semaphore, #tpu.memory_space<semaphore_mem>>)
      %dma_wait3A_249 = arith.constant 0 : i32
      %dma_wait3A_250 = arith.constant 0 : i32
      %dma_wait3A_251 = arith.constant 0 : i32
      %dma_wait3A_252 = tpu.memref_slice %arg6[%dma_wait3A_249, %dma_wait3A_250, %dma_wait3A_251] : memref<2x5x128xi32, #tpu.memory_space<vmem>> -> memref<1x5x128xi32, #tpu.memory_space<vmem>>
      %dma_wait3A_253 = tpu.memref_squeeze %dma_wait3A_252 : memref<1x5x128xi32, #tpu.memory_space<vmem>> -> memref<5x128xi32, #tpu.memory_space<vmem>>
      %dma_wait3A_254 = arith.constant 0 : i32
      %dma_wait3A_255 = arith.constant 0 : i32
      %dma_wait3A_256 = tpu.memref_slice %arg3[%arg0, %mul3A_4, %dma_wait3A_254, %dma_wait3A_255] : memref<2x1280x5x128xi32, #tpu.memory_space<hbm>> -> memref<1x1x5x128xi32, #tpu.memory_space<hbm>>
      %dma_wait3A_257 = tpu.memref_squeeze %dma_wait3A_256 : memref<1x1x5x128xi32, #tpu.memory_space<hbm>> -> memref<5x128xi32, #tpu.memory_space<hbm>>
      %dma_wait3A_258 = arith.constant 0 : i32
      %dma_wait3A_259 = arith.constant 0 : i32
      %dma_wait3A_260 = tpu.memref_slice %arg6[%dma_wait3A_249, %dma_wait3A_258, %dma_wait3A_259] : memref<2x5x128xi32, #tpu.memory_space<vmem>> -> memref<1x5x128xi32, #tpu.memory_space<vmem>>
      %dma_wait3A_261 = tpu.memref_squeeze %dma_wait3A_260 : memref<1x5x128xi32, #tpu.memory_space<vmem>> -> memref<5x128xi32, #tpu.memory_space<vmem>>
      %dma_wait3A_262 = arith.constant 0 : i32
      %dma_wait3A_263 = arith.constant 0 : i32
      %dma_wait3A_264 = tpu.memref_slice %arg3[%arg0, %mul3A_4, %dma_wait3A_262, %dma_wait3A_263] : memref<2x1280x5x128xi32, #tpu.memory_space<hbm>> -> memref<1x1x5x128xi32, #tpu.memory_space<hbm>>
      %dma_wait3A_265 = tpu.memref_squeeze %dma_wait3A_264 : memref<1x1x5x128xi32, #tpu.memory_space<hbm>> -> memref<5x128xi32, #tpu.memory_space<hbm>>
      tpu.wait_dma2 semaphore(%arg9 : memref<!tpu.dma_semaphore, #tpu.memory_space<semaphore_mem>>) src(%dma_wait3A_265 : memref<5x128xi32, #tpu.memory_space<hbm>>) dst(%dma_wait3A_261 : memref<5x128xi32, #tpu.memory_space<vmem>>)
      %lt3A = arith.constant 39 : i32
      %lt3A_266 = arith.cmpi slt, %scan3A_62, %lt3A : i32
      %convert_element_type3A_267 = arith.extui %lt3A_266 : i1 to i32
      %cond3A_268 = arith.constant 0 : i32
      %cond3A_269 = arith.cmpi ne, %convert_element_type3A_267, %cond3A_268 : i32
      scf.if %cond3A_269 {
        %add3A_422 = arith.constant 2 : i32
        %add3A_423 = arith.addi %add3A_65, %add3A_422 : i32
        %dma_start3A_424 = arith.constant 0 : i32
        %dma_start3A_425 = arith.constant 0 : i32
        %dma_start3A_426 = arith.constant 0 : i32
        %dma_start3A_427 = tpu.memref_slice %arg6[%dma_start3A_424, %dma_start3A_425, %dma_start3A_426] : memref<2x5x128xi32, #tpu.memory_space<vmem>> -> memref<1x5x128xi32, #tpu.memory_space<vmem>>
        %dma_start3A_428 = tpu.memref_squeeze %dma_start3A_427 : memref<1x5x128xi32, #tpu.memory_space<vmem>> -> memref<5x128xi32, #tpu.memory_space<vmem>>
        %dma_start3A_429 = arith.constant 0 : i32
        %dma_start3A_430 = arith.constant 0 : i32
        %dma_start3A_431 = tpu.memref_slice %arg3[%arg0, %add3A_423, %dma_start3A_429, %dma_start3A_430] : memref<2x1280x5x128xi32, #tpu.memory_space<hbm>> -> memref<1x1x5x128xi32, #tpu.memory_space<hbm>>
        %dma_start3A_432 = tpu.memref_squeeze %dma_start3A_431 : memref<1x1x5x128xi32, #tpu.memory_space<hbm>> -> memref<5x128xi32, #tpu.memory_space<hbm>>
        %dma_start3A_433 = arith.constant 0 : i32
        %dma_start3A_434 = arith.constant 0 : i32
        %dma_start3A_435 = tpu.memref_slice %arg6[%dma_start3A_424, %dma_start3A_433, %dma_start3A_434] : memref<2x5x128xi32, #tpu.memory_space<vmem>> -> memref<1x5x128xi32, #tpu.memory_space<vmem>>
        %dma_start3A_436 = tpu.memref_squeeze %dma_start3A_435 : memref<1x5x128xi32, #tpu.memory_space<vmem>> -> memref<5x128xi32, #tpu.memory_space<vmem>>
        %dma_start3A_437 = arith.constant 0 : i32
        %dma_start3A_438 = arith.constant 0 : i32
        %dma_start3A_439 = tpu.memref_slice %arg3[%arg0, %add3A_423, %dma_start3A_437, %dma_start3A_438] : memref<2x1280x5x128xi32, #tpu.memory_space<hbm>> -> memref<1x1x5x128xi32, #tpu.memory_space<hbm>>
        %dma_start3A_440 = tpu.memref_squeeze %dma_start3A_439 : memref<1x1x5x128xi32, #tpu.memory_space<hbm>> -> memref<5x128xi32, #tpu.memory_space<hbm>>
        tpu.enqueue_dma source(%dma_start3A_440 : memref<5x128xi32, #tpu.memory_space<hbm>>) target(%dma_start3A_436 : memref<5x128xi32, #tpu.memory_space<vmem>>) target_semaphore(%arg9 : memref<!tpu.dma_semaphore, #tpu.memory_space<semaphore_mem>>)
      } else {
      }
      %ge3A_270 = arith.constant 1 : i32
      %ge3A_271 = arith.cmpi sge, %scan3A_62, %ge3A_270 : i32
      %convert_element_type3A_272 = arith.extui %ge3A_271 : i1 to i32
      %cond3A_273 = arith.constant 0 : i32
      %cond3A_274 = arith.cmpi ne, %convert_element_type3A_272, %cond3A_273 : i32
      scf.if %cond3A_274 {
        %mul3A_422 = arith.constant 640 : i32
        %mul3A_423 = arith.muli %add3A_65, %mul3A_422 : i32
        %mul3A_424 = arith.constant 16 : i32
        %mul3A_425 = arith.muli %arg0, %mul3A_424 : i32
        %dma_wait3A_426 = arith.constant 0 : i32
        %dma_wait3A_427 = arith.constant 0 : i32
        %dma_wait3A_428 = arith.constant 0 : i32
        %dma_wait3A_429 = tpu.memref_slice %arg7[%dma_wait3A_426, %dma_wait3A_427, %dma_wait3A_428] : memref<2x640x16xf32, #tpu.memory_space<vmem>> -> memref<1x640x16xf32, #tpu.memory_space<vmem>>
        %dma_wait3A_430 = tpu.memref_squeeze %dma_wait3A_429 : memref<1x640x16xf32, #tpu.memory_space<vmem>> -> memref<640x16xf32, #tpu.memory_space<vmem>>
        %dma_wait3A_431 = tpu.memref_slice %arg4[%mul3A_423, %mul3A_425] : memref<819200x32xf32, #tpu.memory_space<hbm>> -> memref<640x16xf32, #tpu.memory_space<hbm>>
        %dma_wait3A_432 = tpu.memref_slice %arg4[%mul3A_423, %mul3A_425] : memref<819200x32xf32, #tpu.memory_space<hbm>> -> memref<640x16xf32, #tpu.memory_space<hbm>>
        %dma_wait3A_433 = arith.constant 0 : i32
        %dma_wait3A_434 = arith.constant 0 : i32
        %dma_wait3A_435 = tpu.memref_slice %arg7[%dma_wait3A_426, %dma_wait3A_433, %dma_wait3A_434] : memref<2x640x16xf32, #tpu.memory_space<vmem>> -> memref<1x640x16xf32, #tpu.memory_space<vmem>>
        %dma_wait3A_436 = tpu.memref_squeeze %dma_wait3A_435 : memref<1x640x16xf32, #tpu.memory_space<vmem>> -> memref<640x16xf32, #tpu.memory_space<vmem>>
        tpu.wait_dma2 semaphore(%arg10 : memref<!tpu.dma_semaphore, #tpu.memory_space<semaphore_mem>>) src(%dma_wait3A_436 : memref<640x16xf32, #tpu.memory_space<vmem>>) dst(%dma_wait3A_432 : memref<640x16xf32, #tpu.memory_space<hbm>>)
      } else {
      }
      %add3A_275 = arith.constant 1 : i32
      %add3A_276 = arith.addi %add3A_65, %add3A_275 : i32
      %dma_start3A_277 = arith.constant 1 : i32
      %dma_start3A_278 = arith.constant 0 : i32
      %dma_start3A_279 = arith.constant 1 : i32
      %dma_start3A_280 = arith.constant 0 : i32
      %dma_start3A_281 = arith.constant 0 : i32
      %dma_start3A_282 = tpu.memref_slice %arg7[%dma_start3A_279, %dma_start3A_280, %dma_start3A_281] : memref<2x640x16xf32, #tpu.memory_space<vmem>> -> memref<1x128x16xf32, #tpu.memory_space<vmem>>
      %dma_start3A_283 = tpu.memref_squeeze %dma_start3A_282 : memref<1x128x16xf32, #tpu.memory_space<vmem>> -> memref<128x16xf32, #tpu.memory_space<vmem>>
      %dma_start3A_284 = arith.constant 0 : i32
      %dma_start3A_285 = tpu.memref_slice %arg6[%dma_start3A_277, %dma_start3A_278, %dma_start3A_284] : memref<2x5x128xi32, #tpu.memory_space<vmem>> -> memref<1x1x128xi32, #tpu.memory_space<vmem>>
      %dma_start3A_286 = tpu.memref_squeeze %dma_start3A_285 : memref<1x1x128xi32, #tpu.memory_space<vmem>> -> memref<128xi32, #tpu.memory_space<vmem>>
      %dma_start3A_287 = arith.constant 0 : i32
      %dma_start3A_288 = arith.constant 0 : i32
      %dma_start3A_289 = tpu.memref_slice %arg5[%dma_start3A_287, %dma_start3A_288] : memref<100000x16xf32, #tpu.memory_space<vmem_shared>> -> memref<100000x16xf32, #tpu.memory_space<vmem_shared>>
      tpu.enqueue_indirect_dma source(%dma_start3A_289 : memref<100000x16xf32, #tpu.memory_space<vmem_shared>>) target(%dma_start3A_283 : memref<128x16xf32, #tpu.memory_space<vmem>>) offsets(%dma_start3A_286 : memref<128xi32, #tpu.memory_space<vmem>>) semaphore(%arg8 : memref<!tpu.dma_semaphore, #tpu.memory_space<semaphore_mem>>)
      %dma_start3A_290 = arith.constant 1 : i32
      %dma_start3A_291 = arith.constant 1 : i32
      %dma_start3A_292 = arith.constant 1 : i32
      %dma_start3A_293 = arith.constant 128 : i32
      %dma_start3A_294 = arith.constant 0 : i32
      %dma_start3A_295 = tpu.memref_slice %arg7[%dma_start3A_292, %dma_start3A_293, %dma_start3A_294] : memref<2x640x16xf32, #tpu.memory_space<vmem>> -> memref<1x128x16xf32, #tpu.memory_space<vmem>>
      %dma_start3A_296 = tpu.memref_squeeze %dma_start3A_295 : memref<1x128x16xf32, #tpu.memory_space<vmem>> -> memref<128x16xf32, #tpu.memory_space<vmem>>
      %dma_start3A_297 = arith.constant 0 : i32
      %dma_start3A_298 = tpu.memref_slice %arg6[%dma_start3A_290, %dma_start3A_291, %dma_start3A_297] : memref<2x5x128xi32, #tpu.memory_space<vmem>> -> memref<1x1x128xi32, #tpu.memory_space<vmem>>
      %dma_start3A_299 = tpu.memref_squeeze %dma_start3A_298 : memref<1x1x128xi32, #tpu.memory_space<vmem>> -> memref<128xi32, #tpu.memory_space<vmem>>
      %dma_start3A_300 = arith.constant 0 : i32
      %dma_start3A_301 = arith.constant 0 : i32
      %dma_start3A_302 = tpu.memref_slice %arg5[%dma_start3A_300, %dma_start3A_301] : memref<100000x16xf32, #tpu.memory_space<vmem_shared>> -> memref<100000x16xf32, #tpu.memory_space<vmem_shared>>
      tpu.enqueue_indirect_dma source(%dma_start3A_302 : memref<100000x16xf32, #tpu.memory_space<vmem_shared>>) target(%dma_start3A_296 : memref<128x16xf32, #tpu.memory_space<vmem>>) offsets(%dma_start3A_299 : memref<128xi32, #tpu.memory_space<vmem>>) semaphore(%arg8 : memref<!tpu.dma_semaphore, #tpu.memory_space<semaphore_mem>>)
      %dma_start3A_303 = arith.constant 1 : i32
      %dma_start3A_304 = arith.constant 2 : i32
      %dma_start3A_305 = arith.constant 1 : i32
      %dma_start3A_306 = arith.constant 256 : i32
      %dma_start3A_307 = arith.constant 0 : i32
      %dma_start3A_308 = tpu.memref_slice %arg7[%dma_start3A_305, %dma_start3A_306, %dma_start3A_307] : memref<2x640x16xf32, #tpu.memory_space<vmem>> -> memref<1x128x16xf32, #tpu.memory_space<vmem>>
      %dma_start3A_309 = tpu.memref_squeeze %dma_start3A_308 : memref<1x128x16xf32, #tpu.memory_space<vmem>> -> memref<128x16xf32, #tpu.memory_space<vmem>>
      %dma_start3A_310 = arith.constant 0 : i32
      %dma_start3A_311 = tpu.memref_slice %arg6[%dma_start3A_303, %dma_start3A_304, %dma_start3A_310] : memref<2x5x128xi32, #tpu.memory_space<vmem>> -> memref<1x1x128xi32, #tpu.memory_space<vmem>>
      %dma_start3A_312 = tpu.memref_squeeze %dma_start3A_311 : memref<1x1x128xi32, #tpu.memory_space<vmem>> -> memref<128xi32, #tpu.memory_space<vmem>>
      %dma_start3A_313 = arith.constant 0 : i32
      %dma_start3A_314 = arith.constant 0 : i32
      %dma_start3A_315 = tpu.memref_slice %arg5[%dma_start3A_313, %dma_start3A_314] : memref<100000x16xf32, #tpu.memory_space<vmem_shared>> -> memref<100000x16xf32, #tpu.memory_space<vmem_shared>>
      tpu.enqueue_indirect_dma source(%dma_start3A_315 : memref<100000x16xf32, #tpu.memory_space<vmem_shared>>) target(%dma_start3A_309 : memref<128x16xf32, #tpu.memory_space<vmem>>) offsets(%dma_start3A_312 : memref<128xi32, #tpu.memory_space<vmem>>) semaphore(%arg8 : memref<!tpu.dma_semaphore, #tpu.memory_space<semaphore_mem>>)
      %dma_start3A_316 = arith.constant 1 : i32
      %dma_start3A_317 = arith.constant 3 : i32
      %dma_start3A_318 = arith.constant 1 : i32
      %dma_start3A_319 = arith.constant 384 : i32
      %dma_start3A_320 = arith.constant 0 : i32
      %dma_start3A_321 = tpu.memref_slice %arg7[%dma_start3A_318, %dma_start3A_319, %dma_start3A_320] : memref<2x640x16xf32, #tpu.memory_space<vmem>> -> memref<1x128x16xf32, #tpu.memory_space<vmem>>
      %dma_start3A_322 = tpu.memref_squeeze %dma_start3A_321 : memref<1x128x16xf32, #tpu.memory_space<vmem>> -> memref<128x16xf32, #tpu.memory_space<vmem>>
      %dma_start3A_323 = arith.constant 0 : i32
      %dma_start3A_324 = tpu.memref_slice %arg6[%dma_start3A_316, %dma_start3A_317, %dma_start3A_323] : memref<2x5x128xi32, #tpu.memory_space<vmem>> -> memref<1x1x128xi32, #tpu.memory_space<vmem>>
      %dma_start3A_325 = tpu.memref_squeeze %dma_start3A_324 : memref<1x1x128xi32, #tpu.memory_space<vmem>> -> memref<128xi32, #tpu.memory_space<vmem>>
      %dma_start3A_326 = arith.constant 0 : i32
      %dma_start3A_327 = arith.constant 0 : i32
      %dma_start3A_328 = tpu.memref_slice %arg5[%dma_start3A_326, %dma_start3A_327] : memref<100000x16xf32, #tpu.memory_space<vmem_shared>> -> memref<100000x16xf32, #tpu.memory_space<vmem_shared>>
      tpu.enqueue_indirect_dma source(%dma_start3A_328 : memref<100000x16xf32, #tpu.memory_space<vmem_shared>>) target(%dma_start3A_322 : memref<128x16xf32, #tpu.memory_space<vmem>>) offsets(%dma_start3A_325 : memref<128xi32, #tpu.memory_space<vmem>>) semaphore(%arg8 : memref<!tpu.dma_semaphore, #tpu.memory_space<semaphore_mem>>)
      %dma_start3A_329 = arith.constant 1 : i32
      %dma_start3A_330 = arith.constant 4 : i32
      %dma_start3A_331 = arith.constant 1 : i32
      %dma_start3A_332 = arith.constant 512 : i32
      %dma_start3A_333 = arith.constant 0 : i32
      %dma_start3A_334 = tpu.memref_slice %arg7[%dma_start3A_331, %dma_start3A_332, %dma_start3A_333] : memref<2x640x16xf32, #tpu.memory_space<vmem>> -> memref<1x128x16xf32, #tpu.memory_space<vmem>>
      %dma_start3A_335 = tpu.memref_squeeze %dma_start3A_334 : memref<1x128x16xf32, #tpu.memory_space<vmem>> -> memref<128x16xf32, #tpu.memory_space<vmem>>
      %dma_start3A_336 = arith.constant 0 : i32
      %dma_start3A_337 = tpu.memref_slice %arg6[%dma_start3A_329, %dma_start3A_330, %dma_start3A_336] : memref<2x5x128xi32, #tpu.memory_space<vmem>> -> memref<1x1x128xi32, #tpu.memory_space<vmem>>
      %dma_start3A_338 = tpu.memref_squeeze %dma_start3A_337 : memref<1x1x128xi32, #tpu.memory_space<vmem>> -> memref<128xi32, #tpu.memory_space<vmem>>
      %dma_start3A_339 = arith.constant 0 : i32
      %dma_start3A_340 = arith.constant 0 : i32
      %dma_start3A_341 = tpu.memref_slice %arg5[%dma_start3A_339, %dma_start3A_340] : memref<100000x16xf32, #tpu.memory_space<vmem_shared>> -> memref<100000x16xf32, #tpu.memory_space<vmem_shared>>
      tpu.enqueue_indirect_dma source(%dma_start3A_341 : memref<100000x16xf32, #tpu.memory_space<vmem_shared>>) target(%dma_start3A_335 : memref<128x16xf32, #tpu.memory_space<vmem>>) offsets(%dma_start3A_338 : memref<128xi32, #tpu.memory_space<vmem>>) semaphore(%arg8 : memref<!tpu.dma_semaphore, #tpu.memory_space<semaphore_mem>>)
      %dma_wait3A_342 = arith.constant 1 : i32
      %dma_wait3A_343 = arith.constant 0 : i32
      %dma_wait3A_344 = arith.constant 1 : i32
      %dma_wait3A_345 = arith.constant 0 : i32
      %dma_wait3A_346 = arith.constant 0 : i32
      %dma_wait3A_347 = tpu.memref_slice %arg7[%dma_wait3A_344, %dma_wait3A_345, %dma_wait3A_346] : memref<2x640x16xf32, #tpu.memory_space<vmem>> -> memref<1x128x16xf32, #tpu.memory_space<vmem>>
      %dma_wait3A_348 = tpu.memref_squeeze %dma_wait3A_347 : memref<1x128x16xf32, #tpu.memory_space<vmem>> -> memref<128x16xf32, #tpu.memory_space<vmem>>
      %dma_wait3A_349 = arith.constant 0 : i32
      %dma_wait3A_350 = tpu.memref_slice %arg6[%dma_wait3A_342, %dma_wait3A_343, %dma_wait3A_349] : memref<2x5x128xi32, #tpu.memory_space<vmem>> -> memref<1x1x128xi32, #tpu.memory_space<vmem>>
      %dma_wait3A_351 = tpu.memref_squeeze %dma_wait3A_350 : memref<1x1x128xi32, #tpu.memory_space<vmem>> -> memref<128xi32, #tpu.memory_space<vmem>>
      %dma_wait3A_352 = arith.constant 0 : i32
      %dma_wait3A_353 = arith.constant 0 : i32
      %dma_wait3A_354 = tpu.memref_slice %arg5[%dma_wait3A_352, %dma_wait3A_353] : memref<100000x16xf32, #tpu.memory_space<vmem_shared>> -> memref<100000x16xf32, #tpu.memory_space<vmem_shared>>
      tpu.wait_indirect_dma semaphore(%arg8 : memref<!tpu.dma_semaphore, #tpu.memory_space<semaphore_mem>>) src(%dma_wait3A_354 : memref<100000x16xf32, #tpu.memory_space<vmem_shared>>) dst(%dma_wait3A_348 : memref<128x16xf32, #tpu.memory_space<vmem>>)
      %dma_wait3A_355 = arith.constant 1 : i32
      %dma_wait3A_356 = arith.constant 1 : i32
      %dma_wait3A_357 = arith.constant 1 : i32
      %dma_wait3A_358 = arith.constant 128 : i32
      %dma_wait3A_359 = arith.constant 0 : i32
      %dma_wait3A_360 = tpu.memref_slice %arg7[%dma_wait3A_357, %dma_wait3A_358, %dma_wait3A_359] : memref<2x640x16xf32, #tpu.memory_space<vmem>> -> memref<1x128x16xf32, #tpu.memory_space<vmem>>
      %dma_wait3A_361 = tpu.memref_squeeze %dma_wait3A_360 : memref<1x128x16xf32, #tpu.memory_space<vmem>> -> memref<128x16xf32, #tpu.memory_space<vmem>>
      %dma_wait3A_362 = arith.constant 0 : i32
      %dma_wait3A_363 = tpu.memref_slice %arg6[%dma_wait3A_355, %dma_wait3A_356, %dma_wait3A_362] : memref<2x5x128xi32, #tpu.memory_space<vmem>> -> memref<1x1x128xi32, #tpu.memory_space<vmem>>
      %dma_wait3A_364 = tpu.memref_squeeze %dma_wait3A_363 : memref<1x1x128xi32, #tpu.memory_space<vmem>> -> memref<128xi32, #tpu.memory_space<vmem>>
      %dma_wait3A_365 = arith.constant 0 : i32
      %dma_wait3A_366 = arith.constant 0 : i32
      %dma_wait3A_367 = tpu.memref_slice %arg5[%dma_wait3A_365, %dma_wait3A_366] : memref<100000x16xf32, #tpu.memory_space<vmem_shared>> -> memref<100000x16xf32, #tpu.memory_space<vmem_shared>>
      tpu.wait_indirect_dma semaphore(%arg8 : memref<!tpu.dma_semaphore, #tpu.memory_space<semaphore_mem>>) src(%dma_wait3A_367 : memref<100000x16xf32, #tpu.memory_space<vmem_shared>>) dst(%dma_wait3A_361 : memref<128x16xf32, #tpu.memory_space<vmem>>)
      %dma_wait3A_368 = arith.constant 1 : i32
      %dma_wait3A_369 = arith.constant 2 : i32
      %dma_wait3A_370 = arith.constant 1 : i32
      %dma_wait3A_371 = arith.constant 256 : i32
      %dma_wait3A_372 = arith.constant 0 : i32
      %dma_wait3A_373 = tpu.memref_slice %arg7[%dma_wait3A_370, %dma_wait3A_371, %dma_wait3A_372] : memref<2x640x16xf32, #tpu.memory_space<vmem>> -> memref<1x128x16xf32, #tpu.memory_space<vmem>>
      %dma_wait3A_374 = tpu.memref_squeeze %dma_wait3A_373 : memref<1x128x16xf32, #tpu.memory_space<vmem>> -> memref<128x16xf32, #tpu.memory_space<vmem>>
      %dma_wait3A_375 = arith.constant 0 : i32
      %dma_wait3A_376 = tpu.memref_slice %arg6[%dma_wait3A_368, %dma_wait3A_369, %dma_wait3A_375] : memref<2x5x128xi32, #tpu.memory_space<vmem>> -> memref<1x1x128xi32, #tpu.memory_space<vmem>>
      %dma_wait3A_377 = tpu.memref_squeeze %dma_wait3A_376 : memref<1x1x128xi32, #tpu.memory_space<vmem>> -> memref<128xi32, #tpu.memory_space<vmem>>
      %dma_wait3A_378 = arith.constant 0 : i32
      %dma_wait3A_379 = arith.constant 0 : i32
      %dma_wait3A_380 = tpu.memref_slice %arg5[%dma_wait3A_378, %dma_wait3A_379] : memref<100000x16xf32, #tpu.memory_space<vmem_shared>> -> memref<100000x16xf32, #tpu.memory_space<vmem_shared>>
      tpu.wait_indirect_dma semaphore(%arg8 : memref<!tpu.dma_semaphore, #tpu.memory_space<semaphore_mem>>) src(%dma_wait3A_380 : memref<100000x16xf32, #tpu.memory_space<vmem_shared>>) dst(%dma_wait3A_374 : memref<128x16xf32, #tpu.memory_space<vmem>>)
      %dma_wait3A_381 = arith.constant 1 : i32
      %dma_wait3A_382 = arith.constant 3 : i32
      %dma_wait3A_383 = arith.constant 1 : i32
      %dma_wait3A_384 = arith.constant 384 : i32
      %dma_wait3A_385 = arith.constant 0 : i32
      %dma_wait3A_386 = tpu.memref_slice %arg7[%dma_wait3A_383, %dma_wait3A_384, %dma_wait3A_385] : memref<2x640x16xf32, #tpu.memory_space<vmem>> -> memref<1x128x16xf32, #tpu.memory_space<vmem>>
      %dma_wait3A_387 = tpu.memref_squeeze %dma_wait3A_386 : memref<1x128x16xf32, #tpu.memory_space<vmem>> -> memref<128x16xf32, #tpu.memory_space<vmem>>
      %dma_wait3A_388 = arith.constant 0 : i32
      %dma_wait3A_389 = tpu.memref_slice %arg6[%dma_wait3A_381, %dma_wait3A_382, %dma_wait3A_388] : memref<2x5x128xi32, #tpu.memory_space<vmem>> -> memref<1x1x128xi32, #tpu.memory_space<vmem>>
      %dma_wait3A_390 = tpu.memref_squeeze %dma_wait3A_389 : memref<1x1x128xi32, #tpu.memory_space<vmem>> -> memref<128xi32, #tpu.memory_space<vmem>>
      %dma_wait3A_391 = arith.constant 0 : i32
      %dma_wait3A_392 = arith.constant 0 : i32
      %dma_wait3A_393 = tpu.memref_slice %arg5[%dma_wait3A_391, %dma_wait3A_392] : memref<100000x16xf32, #tpu.memory_space<vmem_shared>> -> memref<100000x16xf32, #tpu.memory_space<vmem_shared>>
      tpu.wait_indirect_dma semaphore(%arg8 : memref<!tpu.dma_semaphore, #tpu.memory_space<semaphore_mem>>) src(%dma_wait3A_393 : memref<100000x16xf32, #tpu.memory_space<vmem_shared>>) dst(%dma_wait3A_387 : memref<128x16xf32, #tpu.memory_space<vmem>>)
      %dma_wait3A_394 = arith.constant 1 : i32
      %dma_wait3A_395 = arith.constant 4 : i32
      %dma_wait3A_396 = arith.constant 1 : i32
      %dma_wait3A_397 = arith.constant 512 : i32
      %dma_wait3A_398 = arith.constant 0 : i32
      %dma_wait3A_399 = tpu.memref_slice %arg7[%dma_wait3A_396, %dma_wait3A_397, %dma_wait3A_398] : memref<2x640x16xf32, #tpu.memory_space<vmem>> -> memref<1x128x16xf32, #tpu.memory_space<vmem>>
      %dma_wait3A_400 = tpu.memref_squeeze %dma_wait3A_399 : memref<1x128x16xf32, #tpu.memory_space<vmem>> -> memref<128x16xf32, #tpu.memory_space<vmem>>
      %dma_wait3A_401 = arith.constant 0 : i32
      %dma_wait3A_402 = tpu.memref_slice %arg6[%dma_wait3A_394, %dma_wait3A_395, %dma_wait3A_401] : memref<2x5x128xi32, #tpu.memory_space<vmem>> -> memref<1x1x128xi32, #tpu.memory_space<vmem>>
      %dma_wait3A_403 = tpu.memref_squeeze %dma_wait3A_402 : memref<1x1x128xi32, #tpu.memory_space<vmem>> -> memref<128xi32, #tpu.memory_space<vmem>>
      %dma_wait3A_404 = arith.constant 0 : i32
      %dma_wait3A_405 = arith.constant 0 : i32
      %dma_wait3A_406 = tpu.memref_slice %arg5[%dma_wait3A_404, %dma_wait3A_405] : memref<100000x16xf32, #tpu.memory_space<vmem_shared>> -> memref<100000x16xf32, #tpu.memory_space<vmem_shared>>
      tpu.wait_indirect_dma semaphore(%arg8 : memref<!tpu.dma_semaphore, #tpu.memory_space<semaphore_mem>>) src(%dma_wait3A_406 : memref<100000x16xf32, #tpu.memory_space<vmem_shared>>) dst(%dma_wait3A_400 : memref<128x16xf32, #tpu.memory_space<vmem>>)
      %mul3A_407 = arith.constant 640 : i32
      %mul3A_408 = arith.muli %add3A_276, %mul3A_407 : i32
      %mul3A_409 = arith.constant 16 : i32
      %mul3A_410 = arith.muli %arg0, %mul3A_409 : i32
      %dma_start3A_411 = arith.constant 1 : i32
      %dma_start3A_412 = arith.constant 0 : i32
      %dma_start3A_413 = arith.constant 0 : i32
      %dma_start3A_414 = tpu.memref_slice %arg7[%dma_start3A_411, %dma_start3A_412, %dma_start3A_413] : memref<2x640x16xf32, #tpu.memory_space<vmem>> -> memref<1x640x16xf32, #tpu.memory_space<vmem>>
      %dma_start3A_415 = tpu.memref_squeeze %dma_start3A_414 : memref<1x640x16xf32, #tpu.memory_space<vmem>> -> memref<640x16xf32, #tpu.memory_space<vmem>>
      %dma_start3A_416 = tpu.memref_slice %arg4[%mul3A_408, %mul3A_410] : memref<819200x32xf32, #tpu.memory_space<hbm>> -> memref<640x16xf32, #tpu.memory_space<hbm>>
      %dma_start3A_417 = tpu.memref_slice %arg4[%mul3A_408, %mul3A_410] : memref<819200x32xf32, #tpu.memory_space<hbm>> -> memref<640x16xf32, #tpu.memory_space<hbm>>
      %dma_start3A_418 = arith.constant 0 : i32
      %dma_start3A_419 = arith.constant 0 : i32
      %dma_start3A_420 = tpu.memref_slice %arg7[%dma_start3A_411, %dma_start3A_418, %dma_start3A_419] : memref<2x640x16xf32, #tpu.memory_space<vmem>> -> memref<1x640x16xf32, #tpu.memory_space<vmem>>
      %dma_start3A_421 = tpu.memref_squeeze %dma_start3A_420 : memref<1x640x16xf32, #tpu.memory_space<vmem>> -> memref<640x16xf32, #tpu.memory_space<vmem>>
      tpu.enqueue_dma source(%dma_start3A_421 : memref<640x16xf32, #tpu.memory_space<vmem>>) target(%dma_start3A_417 : memref<640x16xf32, #tpu.memory_space<hbm>>) target_semaphore(%arg10 : memref<!tpu.dma_semaphore, #tpu.memory_space<semaphore_mem>>)
    }
    %scan3A_25 = arith.constant 40 : i32
    %add3A_26 = arith.constant 80 : i32
    %add3A_27 = arith.addi %mul3A_4, %add3A_26 : i32
    %sub3A = arith.constant 2 : i32
    %sub3A_28 = arith.subi %add3A_27, %sub3A : i32
    %mul3A_29 = arith.constant 640 : i32
    %mul3A_30 = arith.muli %sub3A_28, %mul3A_29 : i32
    %mul3A_31 = arith.constant 16 : i32
    %mul3A_32 = arith.muli %arg0, %mul3A_31 : i32
    %dma_wait3A = arith.constant 0 : i32
    %dma_wait3A_33 = arith.constant 0 : i32
    %dma_wait3A_34 = arith.constant 0 : i32
    %dma_wait3A_35 = tpu.memref_slice %arg7[%dma_wait3A, %dma_wait3A_33, %dma_wait3A_34] : memref<2x640x16xf32, #tpu.memory_space<vmem>> -> memref<1x640x16xf32, #tpu.memory_space<vmem>>
    %dma_wait3A_36 = tpu.memref_squeeze %dma_wait3A_35 : memref<1x640x16xf32, #tpu.memory_space<vmem>> -> memref<640x16xf32, #tpu.memory_space<vmem>>
    %dma_wait3A_37 = tpu.memref_slice %arg4[%mul3A_30, %mul3A_32] : memref<819200x32xf32, #tpu.memory_space<hbm>> -> memref<640x16xf32, #tpu.memory_space<hbm>>
    %dma_wait3A_38 = tpu.memref_slice %arg4[%mul3A_30, %mul3A_32] : memref<819200x32xf32, #tpu.memory_space<hbm>> -> memref<640x16xf32, #tpu.memory_space<hbm>>
    %dma_wait3A_39 = arith.constant 0 : i32
    %dma_wait3A_40 = arith.constant 0 : i32
    %dma_wait3A_41 = tpu.memref_slice %arg7[%dma_wait3A, %dma_wait3A_39, %dma_wait3A_40] : memref<2x640x16xf32, #tpu.memory_space<vmem>> -> memref<1x640x16xf32, #tpu.memory_space<vmem>>
    %dma_wait3A_42 = tpu.memref_squeeze %dma_wait3A_41 : memref<1x640x16xf32, #tpu.memory_space<vmem>> -> memref<640x16xf32, #tpu.memory_space<vmem>>
    tpu.wait_dma2 semaphore(%arg10 : memref<!tpu.dma_semaphore, #tpu.memory_space<semaphore_mem>>) src(%dma_wait3A_42 : memref<640x16xf32, #tpu.memory_space<vmem>>) dst(%dma_wait3A_38 : memref<640x16xf32, #tpu.memory_space<hbm>>)
    %add3A_43 = arith.constant 80 : i32
    %add3A_44 = arith.addi %mul3A_4, %add3A_43 : i32
    %sub3A_45 = arith.constant 1 : i32
    %sub3A_46 = arith.subi %add3A_44, %sub3A_45 : i32
    %mul3A_47 = arith.constant 640 : i32
    %mul3A_48 = arith.muli %sub3A_46, %mul3A_47 : i32
    %mul3A_49 = arith.constant 16 : i32
    %mul3A_50 = arith.muli %arg0, %mul3A_49 : i32
    %dma_wait3A_51 = arith.constant 0 : i32
    %dma_wait3A_52 = arith.constant 0 : i32
    %dma_wait3A_53 = arith.constant 0 : i32
    %dma_wait3A_54 = tpu.memref_slice %arg7[%dma_wait3A_51, %dma_wait3A_52, %dma_wait3A_53] : memref<2x640x16xf32, #tpu.memory_space<vmem>> -> memref<1x640x16xf32, #tpu.memory_space<vmem>>
    %dma_wait3A_55 = tpu.memref_squeeze %dma_wait3A_54 : memref<1x640x16xf32, #tpu.memory_space<vmem>> -> memref<640x16xf32, #tpu.memory_space<vmem>>
    %dma_wait3A_56 = tpu.memref_slice %arg4[%mul3A_48, %mul3A_50] : memref<819200x32xf32, #tpu.memory_space<hbm>> -> memref<640x16xf32, #tpu.memory_space<hbm>>
    %dma_wait3A_57 = tpu.memref_slice %arg4[%mul3A_48, %mul3A_50] : memref<819200x32xf32, #tpu.memory_space<hbm>> -> memref<640x16xf32, #tpu.memory_space<hbm>>
    %dma_wait3A_58 = arith.constant 0 : i32
    %dma_wait3A_59 = arith.constant 0 : i32
    %dma_wait3A_60 = tpu.memref_slice %arg7[%dma_wait3A_51, %dma_wait3A_58, %dma_wait3A_59] : memref<2x640x16xf32, #tpu.memory_space<vmem>> -> memref<1x640x16xf32, #tpu.memory_space<vmem>>
    %dma_wait3A_61 = tpu.memref_squeeze %dma_wait3A_60 : memref<1x640x16xf32, #tpu.memory_space<vmem>> -> memref<640x16xf32, #tpu.memory_space<vmem>>
    tpu.wait_dma2 semaphore(%arg10 : memref<!tpu.dma_semaphore, #tpu.memory_space<semaphore_mem>>) src(%dma_wait3A_61 : memref<640x16xf32, #tpu.memory_space<vmem>>) dst(%dma_wait3A_57 : memref<640x16xf32, #tpu.memory_space<hbm>>)
    return
  }
}

</mosaic_0001>

<sc_bundles>
// kernel: kernel.3.cloned.1.call-start
scs
__scs_entry_jumppad:
0x0: {  	(pc) =	sbr.rel $0x88, $3  }
0x1: {  	(tag) =	ssettag $0x0;
	lr =	simm.s32 $0x1  }
0x2: {  	[smem:$0x3F9D] =	sst lr;
	_ =	strace $0xD0000000  }
0x3: {  	_ = 	snop  }
0x4: {  	_ = 	snop  }
0x5: {  	_ = 	snop  }
0x6: {  	_ = 	snop  }
0x7: {  	_ = 	snop  }
__scs_overlays_trampoline_lowered:
0x8: {  	[smem:$0x3FAC] =	sst s0  }
0x9: {  	[smem:$0x3FAD] =	sst s1  }
0xa: {  	[smem:$0x3FAE] =	sst s2  }
0xb: {  	[smem:$0x3FAF] =	sst s3  }
0xc: {  	[smem:$0x3FB0] =	sst s4  }
0xd: {  	[smem:$0x3FB1] =	sst s5  }
0xe: {  	[smem:$0x3FB2] =	sst s6  }
0xf: {  	[smem:$0x3FB3] =	sst s7  }
0x10: {  	[smem:$0x3FB4] =	sst s8  }
0x11: {  	[smem:$0x3FB5] =	sst s9;
	s0 =	simm.s32 @!p0 $0x0  }
0x12: {  	s1 =	sld [smem:$0x3F9B];
	s0 =	simm.s32 @p0 $0x1  }
0x13: {  	[smem:$0x3FB6] =	sst s0;
	s0 =	simm.s32 @!p1 $0x0  }
0x14: {  	s2 =	sld [smem:$0x3F9A];
	s0 =	simm.s32 @p1 $0x1  }
0x15: {  	[smem:$0x3FB7] =	sst s0;
	s0 =	simm.s32 @!p2 $0x0  }
0x16: {  	s3 =	sld [smem:$0x3FDB];
	s0 =	simm.s32 @p2 $0x1  }
0x17: {  	s4 =	simm.s32 $0x1BF5;
	[smem:$0x3FB9] =	sst s0  }
0x18: {  	s0 =	sld [smem:$0x3F9C];
	_ =	swait.ge [sflag:s4], $0x0  }
0x19: {  	s7 =	sld [smem:$0x3F9D]  }
0x1a: {  	s8 =	sadd.s32 $0xFFFFE003, lr  }
0x1b: {  	s9 =	sadd.s32 $0xFFFFFEF7, lr;
	s5 =	simm.s32 $0xFFFFFFFF;
	p2 =	slt.u32 s8, $0xFFFFF086  }
0x1c: {  	p1 =	slt.u32 s9, $0xF7A;
	s5 =	simm.s32 @!p2 $0x0  }
0x1d: {  	s5 =	simm.s32 @p1 $0x1;
	p0 =	seq.s32 s7, s2  }
0x1e: {  	s7 =	smul.u32 @!p0 $0xF7A, s2;
	p2 =	seq.s32 @!p0 s5, $0x0  }
0x1f: {  	s9 =	smul.u32 $0xF7A, s1;
	s8 =	simm.s32 @!p0 $0x1BF5;
	p2 =	por !p2, p0  }
0x20: {  	[sflag:s8] =	ssyncset.s32 @!p0 $0xFFFFF086;
	s6 =	sadd.s32 @!p0 s3, s7;
	s7 =	simm.s32 @!p0 $0x108  }
0x21: {  	s3 =	sadd.s32 s3, s9;
	s6 =	sadd.s32 @!p0 $0x88, s6;
	s7 =	simm.s32 @p2 $0x1082  }
0x22: {  	[simem:s7], [sflag:s8] =	dma.local @!p0 [hbm:s6], $0xF7A  }
0x23: {  	s9 =	sor.u32 $0xD0000000, s2;
	s6 =	simm.s32 $0x108;
	_ =	swait.ge @!p0 [sflag:s8], $0x0  }
0x24: {  	s3 =	sadd.s32 $0x88, s3;
	s6 =	simm.s32 @!p1 $0x1082;
	[sflag:s4] =	ssyncset.s32 $0xFFFFF086  }
0x25: {  	[simem:s6], [sflag:s4] =	dma.local [hbm:s3], $0xF7A  }
0x26: {  	[smem:$0x3F9D] =	sst s1;
	(tag) =	ssettag s2;
	_ =	strace s9  }
0x27: {  	s1 =	sld [smem:$0x3FAD]  }
0x28: {  	s2 =	sld [smem:$0x3FAE]  }
0x29: {  	s4 =	sld [smem:$0x3FB0]  }
0x2a: {  	p0 =	seq.s32 s5, $0x0;
	s5 =	sld [smem:$0x3FB1]  }
0x2b: {  	s6 =	sld [smem:$0x3FB2]  }
0x2c: {  	s7 =	sld [smem:$0x3FB3]  }
0x2d: {  	s3 =	simm.s32 $0x108;
	s8 =	sld [smem:$0x3FB4]  }
0x2e: {  	s3 =	simm.s32 @!p0 $0x1082;
	s9 =	sld [smem:$0x3FB5]  }
0x2f: {  	lr =	sadd.s32 s0, s3;
	s0 =	sld [smem:$0x3FAC]  }
0x30: {  	s3 =	sld [smem:$0x3FAF]  }
0x31: {  	[smem:$0x3FB8] =	sst s10  }
0x32: {  	s10 =	sld [smem:$0x3FB6];
	_ =	sdelay $0x3  }
0x33: {  	p0 =	seq.s32 s10, $0x1;
	s10 =	sld [smem:$0x3FB8];
	_ =	sdelay $0x3  }
0x34: {  	[smem:$0x3FB8] =	sst s10  }
0x35: {  	s10 =	sld [smem:$0x3FB7];
	_ =	sdelay $0x3  }
0x36: {  	p1 =	seq.s32 s10, $0x1;
	s10 =	sld [smem:$0x3FB8];
	_ =	sdelay $0x3  }
0x37: {  	[smem:$0x3FB8] =	sst s10  }
0x38: {  	s10 =	sld [smem:$0x3FB9]  }
0x39: {  	_ = 	snop;
	(pc) =	sbr.ind lr, $3  }
0x3a: {  	_ = 	snop  }
0x3b: {  	_ = 	snop  }
0x3c: {  	p2 =	seq.s32 s10, $0x1;
	s10 =	sld [smem:$0x3FB8]  }
0x3d: {  	_ =	shalt  }
0x3e: {  	_ =	shalt  }
0x3f: {  	_ =	shalt  }
0x40: {  	_ =	shalt  }
0x41: {  	_ =	shalt  }
0x42: {  	_ =	shalt  }
0x43: {  	_ =	shalt  }
0x44: {  	_ =	shalt  }
0x45: {  	_ =	shalt  }
0x46: {  	_ =	shalt  }
0x47: {  	_ =	shalt  }
0x48: {  	_ =	shalt  }
0x49: {  	_ =	shalt  }
0x4a: {  	_ =	shalt  }
0x4b: {  	_ =	shalt  }
0x4c: {  	_ =	shalt  }
0x4d: {  	_ =	shalt  }
0x4e: {  	_ =	shalt  }
0x4f: {  	_ =	shalt  }
0x50: {  	_ =	shalt  }
0x51: {  	_ =	shalt  }
0x52: {  	_ =	shalt  }
0x53: {  	_ =	shalt  }
0x54: {  	_ =	shalt  }
0x55: {  	_ =	shalt  }
0x56: {  	_ =	shalt  }
0x57: {  	_ =	shalt  }
0x58: {  	_ =	shalt  }
0x59: {  	_ =	shalt  }
0x5a: {  	_ =	shalt  }
0x5b: {  	_ =	shalt  }
0x5c: {  	_ =	shalt  }
0x5d: {  	_ =	shalt  }
0x5e: {  	_ =	shalt  }
0x5f: {  	_ =	shalt  }
0x60: {  	_ =	shalt  }
0x61: {  	_ =	shalt  }
0x62: {  	_ =	shalt  }
0x63: {  	_ =	shalt  }
0x64: {  	_ =	shalt  }
0x65: {  	_ =	shalt  }
0x66: {  	_ =	shalt  }
0x67: {  	_ =	shalt  }
0x68: {  	_ =	shalt  }
0x69: {  	_ =	shalt  }
0x6a: {  	_ =	shalt  }
0x6b: {  	_ =	shalt  }
0x6c: {  	_ =	shalt  }
0x6d: {  	_ =	shalt  }
0x6e: {  	_ =	shalt  }
0x6f: {  	_ =	shalt  }
0x70: {  	_ =	shalt  }
0x71: {  	_ =	shalt  }
0x72: {  	_ =	shalt  }
0x73: {  	_ =	shalt  }
0x74: {  	_ =	shalt  }
0x75: {  	_ =	shalt  }
0x76: {  	_ =	shalt  }
0x77: {  	_ =	shalt  }
0x78: {  	_ =	shalt  }
0x79: {  	_ =	shalt  }
0x7a: {  	_ =	shalt  }
0x7b: {  	_ =	shalt  }
0x7c: {  	_ =	shalt  }
0x7d: {  	_ =	shalt  }
0x7e: {  	_ =	shalt  }
0x7f: {  	_ =	shalt  }
0x80: {  	_ =	shalt  }
0x81: {  	_ =	shalt  }
0x82: {  	_ =	shalt  }
0x83: {  	_ =	shalt  }
0x84: {  	_ =	shalt  }
0x85: {  	_ =	shalt  }
0x86: {  	_ =	shalt  }
0x87: {  	_ =	shalt  }
.Lfunc_end0:
.L_simem_size_0:
called_computation.2_lowered:
.L_overlay_start_0:
0x88: {  	s2 =	sld [smem:$0x3FD9]  }
0x89: {  	s3 =	sld [smem:$0x3FFE];
	_ =	sdelay $0x1  }
0x8a: {  	s1 =	srdreg.scid  }
0x8b: {  	s0 =	sand.u32 $0x1, s1  }
0x8c: {  	s17 =	sshll.u32 s0, $0xA;
	s2 =	sadd.s32 s3, s2  }
0x8d: {  	s2 =	sadd.s32 s2, s17  }
0x8e: {  	[smem:$0x3FC4] =	sst s2  }
0x8f: {  	_ = 	snop  }
0x90: {  	s2 =	sld [smem:$0x3FD0];
	(tm) =	ssettm $0x1  }
0x91: {  	s18 =	sld [smem:$0x3FFB];
	_ =	sdelay $0x3  }
0x92: {  	_ =	strace s18  }
0x93: {  	s3 =	sld [smem:$0x3FFC];
	_ =	sdelay $0x3  }
0x94: {  	_ =	strace s3  }
0x95: {  	s3 =	sld [smem:$0x3FFD];
	_ =	sdelay $0x3  }
0x96: {  	_ =	strace s3  }
0x97: {  	_ =	strace $0x8FFFFFFF  }
0x98: {  	s19 =	sld [smem:$0x3FDB];
	_ =	sdelay $0x1  }
0x99: {  	s4 =	simm.s32 $_scs_section_size  }
0x9a: {  	s5 =	simm.s32 $_size__tile_overlayer_lowered;
	s6 =	simm.s32 $_tile_overlayer_lowered  }
0x9b: {  	s22 =	simm.s32 $0x1BFF;
	s21 =	sshll.u32 s6, $0x1;
	s3 =	sadd.s32 s4, s19  }
0x9c: {  	s7 =	simm.s32 $0x0;
	s20 =	sshll.u32 s5, $0x1;
	s5 =	sadd.s32 s21, s3  }
0x9d: {  	[timem:s7], [sflag:s22] =	dma.local [hbm:s5], s20  }
0x9e: {  	_ =	swait.ge [sflag:s22], s20  }
0x9f: {  	s4 =	ssub.s32 $0x0, s20;
	[sflag:s22] =	ssyncset.done $0x0  }
0xa0: {  	[sflag:s22] =	ssyncadd.s32 s4;
	_ =	sdelay $0x1  }
0xa1: {  	s23 =	simm.s32 $0x1B8B  }
0xa2: {  	_ =	swait.ge [sflag:s23], $0x1  }
0xa3: {  	[sflag:s23] =	ssyncset.done $0x0  }
0xa4: {  	s25 =	simm.s32 $0x1B8E;
	s24 =	sld [smem:$0x3FFE];
	[sflag:s23] =	ssyncadd.s32 $0xFFFFFFFF  }
0xa5: {  	s26 =	simm.s32 $execute0_lowered;
	[smem:$0x3FD2] =	sst s25  }
0xa6: {  	s5 =	sshll.u32 s26, $0x1;
	_ =	strace $0x80000046;
	[dreg:$0x1] =	wrdreg $0xFFFFFFFF  }
0xa7: {  	s28 =	simm.s32 $_size_execute0_lowered;
	s3 =	sadd.s32 s3, s5;
	[dreg:$0x0] =	wrdreg $0x0  }
0xa8: {  	s5 =	sshll.u32 s28, $0x1;
	[dreg:$0x2] =	wrdreg s3  }
0xa9: {  	[dreg:$0x3] =	wrdreg s5  }
0xaa: {  	[dreg:$0x4] =	wrdreg $0xC0  }
0xab: {  	_ =	task [dreg:s7], $0x5FFFF  }
0xac: {  	[dreg:$0x1] =	wrdreg $0xFFFFFFFF  }
0xad: {  	[dreg:$0x0] =	wrdreg $0x60  }
0xae: {  	[dreg:$0x2] =	wrdreg s24  }
0xaf: {  	[dreg:$0x3] =	wrdreg s2  }
0xb0: {  	[dreg:$0x4] =	wrdreg $0x0  }
0xb1: {  	[dreg:$0x5] =	wrdreg $0x9  }
0xb2: {  	_ =	task.clear_ibuf [dreg:s7], $0x6FFFF;
	_ =	strace $0x90000046  }
0xb3: {  	s29 =	simm.s32 $0x9;
	_ =	strace $0x80000048  }
0xb4: {  	_ =	swait.ge [sflag:s29], $0x1  }
0xb5: {  	[sflag:s29] =	ssyncadd.s32 $0xFFFFFFFF  }
0xb6: {  	_ =	strace $0x90000048  }
0xb7: {  	_ =	sfence  }
0xb8: {  	s30 =	sld [smem:$0x0];
	_ =	sdelay $0x2  }
0xb9: {  	s31 =	sshll.u32 s1, $0xD;
	s1 =	sshrl.u32 s1, $0x2  }
0xba: {  	s3 =	sand.u32 $0x4000, s31;
	s1 =	sadd.s32 s1, s30  }
0xbb: {  	s0 =	sor.u32 s3, s0;
	s1 =	sshll.u32 s1, $0x11  }
0xbc: {  	s0 =	sor.u32 s1, s0  }
0xbd: {  	s0 =	sadd.s32 $0x8F2B, s0  }
0xbe: {  	[sflag:s0] =	ssyncadd.remote.s32 $0x1  }
0xbf: {  	_ =	sfence.sel $0xFFFF  }
0xc0: {  	[dreg:$0x0] =	wrdreg $0xFFFFFFFF;
	(pc) =	sbr.abs _section_cstart, $3  }
0xc1: {  	[dreg:$0x1] =	wrdreg $0xFFFFFFFF  }
0xc2: {  	_ =	task.clear_ibuf [dreg:s7], $0x2FFFF;
	_ =	strace $0x9FFFFFFF  }
0xc3: {  	(tm) =	ssettm $0x7FFFFFFF  }
tec
execute0_lowered:
.L_overlay_start_1:
0x0: {  	(tag) =	ssettag $0x1  }
0x1: {  	s0 =	rddreg [dreg:$0x0]  }
0x2: {  	s1 =	rddreg [dreg:$0x1];
	s3 =	srdreg.scid  }
0x3: {  	s2 =	rddreg [dreg:$0x2];
	s9 =	stileid.u32;
	s6 =	simm.s32 $0x0  }
0x4: {  	s28 =	simm.s32 $0x1;
	s29 =	simm.s32 $0x10;
	s5 =	smul.u32 $0x30D4, s9  }
0x5: {  	s30 =	simm.s32 $0x20;
	s31 =	simm.s32 $0x1B3A0;
	s15 =	smul.u32 $0x61A80, s9  }
0x6: {  	s12 =	simm.s32 $0x1D3A0;
	s11 =	simm.s32 $0x3;
	s16 =	smul.u32 $0xC800, s9  }
0x7: {  	s13 =	simm.s32 $0x0;
	s3 =	sand.u32 $0x1, s3;
	s17 =	smul.u32 $0x190000, s9  }
0x8: {  	[smem:$0x7FF] =	sst s6;
	s9 =	sshll.u32 s9, $0x6;
	s4 =	smul.u32 $0x30D40, s3  }
0x9: {  	_ =	strace $0x80000047;
	s14 =	ssub.s32 $0x2, s3;
	s8 =	smul.u32 $0xC8000, s3  }
0xa: {  	s3 =	sshll.u32 s3, $0x4;
	s18 =	sor.u32 $0x1C04, s9;
	s9 =	simm.s32 $0x18B20  }
0xb: {  	s7 =	sshrl.u32 s14, $0x1;
	s6 =	sshrl.u32 s15, $0x2;
	[dreg:$0x5] =	wrdreg s18  }
0xc: {  	s3 =	sor.u32 s3, s17;
	s15 =	simm.s32 $0x2;
	s17 =	simm.s32 $0x80  }
0xd: {  	s18 =	simm.s32 $0x18BA0;
	s4 =	sadd.s32 s5, s4;
	s5 =	ssub.s32 s14, s7  }
0xe: {  	s6 =	sadd.s32 s6, s2;
	s7 =	sadd.s32 s16, s8;
	s22 =	sshrl.u32 s3, $0x3  }
0xf: {  	s3 =	sor.u32 $0x5000, s3;
	s16 =	simm.s32 $0x18920;
	s4 =	sadd.s32 s4, s0  }
0x10: {  	s0 =	sadd.s32 $0x1600, s0;
	s19 =	sshrl.u32 s7, $0x3;
	s21 =	smax.u32 s5, $0x1  }
0x11: {  	s8 =	sadd.s32 s22, s1;
	s23 =	sor.u32 $0x500, s7;
	s3 =	sshrl.u32 s3, $0x3  }
0x12: {  	s24 =	sor.u32 $0x280, s7;
	s26 =	sshrl.u32 s6, $0x3;
	s22 =	simm.s32 $0x19BA0  }
0x13: {  	s5 =	simm.s32 $0x1C3A0;
	s6 =	simm.s32 $0x18AA0;
	s7 =	simm.s32 $0x1CBA0  }
0x14: {  	s4 =	sadd.s32 $0x33600, s4;
	s20 =	sadd.s32 s0, s19;
	[dreg:$0x7] =	wrdreg s21  }
0x15: {  	s10 =	sadd.s32 s3, s1;
	s25 =	sshrl.u32 s24, $0x3;
	[dreg:$0xa] =	wrdreg s26  }
0x16: {  	s21 =	simm.s32 $0x187A0;
	s24 =	simm.s32 $0x1A3A0;
	s26 =	simm.s32 $0x1ABA0  }
0x17: {  	s1 =	simm.s32 $0x1BBA0;
	[dreg:$0x4] =	wrdreg s4;
	s4 =	sshrl.u32 s23, $0x3  }
0x18: {  	[dreg:$0x6] =	wrdreg s20;
	s23 =	simm.s32 $0x18820;
	s4 =	sadd.s32 s4, s0  }
0x19: {  	s0 =	sadd.s32 s25, s0;
	s25 =	simm.s32 $0x188A0;
	[dreg:$0x8] =	wrdreg s4  }
0x1a: {  	[dreg:$0x9] =	wrdreg s0;
	s0 =	simm.s32 $0x189A0;
	s4 =	simm.s32 $0x18A20  }
.LBB2_1:
0x1b: {  	[dreg:$0xb] =	wrdreg s13  }
0x1c: {  	s3 =	rddreg [dreg:$0x4]  }
0x1d: {  	s20 =	rddreg [dreg:$0x5]  }
0x1e: {  	s14 =	rddreg [dreg:$0xa];
	s13 =	simm.s32 $0x4  }
0x1f: {  	[spmem:s14], [sflag:s20] =	dma.local [hbm:s3], $0x30D4  }
0x20: {  	_ =	swait.ge [sflag:s13], $0x30D4  }
0x21: {  	[sflag:s13] =	ssyncset.done $0x0  }
0x22: {  	[sflag:s13] =	ssyncadd.s32 $0xFFFFCF2C  }
0x23: {  	[bflag:$0x0] =	sbarrier.arrive $0xFFFF  }
0x24: {  	s19 =	rddreg [dreg:$0x6]  }
0x25: {  	s14 =	simm.s32 $0x0;
	s20 =	simm.s32 $0x186A0;
	s13 =	rddreg [dreg:$0x9]  }
0x26: {  	[tilespmem:s20], [sflag:$0x2] =	stream.linear.gather [hbm4b:s19+s14], $0x280, $0x38;
	[tilespmem:$0x1DBA0] =	vst v63  }
0x27: {  	s3 =	rddreg [dreg:$0x8];
	s14 =	simm.s32 $0x0  }
.LBB2_2:
0x28: {  	_ =	swait.ge [sflag:s15], $0x280  }
0x29: {  	[sflag:s15] =	ssyncset.done $0x0  }
0x2a: {  	s19 =	simm.s32 $0x0;
	p0 =	seq.s32 s14, $0x0;
	[sflag:s15] =	ssyncadd.s32 $0xFFFFFD80  }
0x2b: {  	[tilespmem:s16], [sflag:$0x2] =	stream.linear.gather [hbm4b:s13+s19], $0x280, $0x38;
	[tilespmem:$0x1DBA0] =	vst v63  }
0x2c: {  	s19 =	simm.s32 @!p0 $0x3  }
0x2d: {  	_ =	swait.ge @!p0 [sflag:s19], $0x2800  }
0x2e: {  	[sflag:s19] =	ssyncset.done @!p0 $0x0  }
0x2f: {  	s20 =	simm.s32 $0x186A0;
	[sflag:s19] =	ssyncadd.s32 @!p0 $0xFFFFD800  }
0x30: {  	[tilespmem:s18], [sflag:$0x1] =	stream.indirect.gather [spmem:s2], $0x10, s20, s17, $0xb8;
	[tilespmem:$0x1DBA0] =	vst v63  }
0x31: {  	s19 =	simm.s32 $0x18720;
	s20 =	simm.s32 $0x193A0  }
0x32: {  	[tilespmem:s20], [sflag:$0x1] =	stream.indirect.gather [spmem:s2], $0x10, s19, s17, $0xb8;
	[tilespmem:$0x1DBA0] =	vst v63  }
0x33: {  	_ = 	snop  }
0x34: {  	[tilespmem:s22], [sflag:$0x1] =	stream.indirect.gather [spmem:s2], $0x10, s21, s17, $0xb8;
	[tilespmem:$0x1DBA0] =	vst v63  }
0x35: {  	_ = 	snop  }
0x36: {  	[tilespmem:s24], [sflag:$0x1] =	stream.indirect.gather [spmem:s2], $0x10, s23, s17, $0xb8;
	[tilespmem:$0x1DBA0] =	vst v63  }
0x37: {  	_ = 	snop  }
0x38: {  	[tilespmem:s26], [sflag:$0x1] =	stream.indirect.gather [spmem:s2], $0x10, s25, s17, $0xb8;
	[tilespmem:$0x1DBA0] =	vst v63  }
0x39: {  	_ =	swait.ge [sflag:s28], $0x800  }
0x3a: {  	[sflag:s28] =	ssyncset.done $0x0  }
0x3b: {  	[sflag:s28] =	ssyncadd.s32 $0xFFFFF800  }
0x3c: {  	_ =	swait.ge [sflag:s28], $0x800  }
0x3d: {  	[sflag:s28] =	ssyncset.done $0x0  }
0x3e: {  	[sflag:s28] =	ssyncadd.s32 $0xFFFFF800  }
0x3f: {  	_ =	swait.ge [sflag:s28], $0x800  }
0x40: {  	[sflag:s28] =	ssyncset.done $0x0  }
0x41: {  	[sflag:s28] =	ssyncadd.s32 $0xFFFFF800  }
0x42: {  	_ =	swait.ge [sflag:s28], $0x800  }
0x43: {  	[sflag:s28] =	ssyncset.done $0x0  }
0x44: {  	[sflag:s28] =	ssyncadd.s32 $0xFFFFF800  }
0x45: {  	_ =	swait.ge [sflag:s28], $0x800  }
0x46: {  	[sflag:s28] =	ssyncset.done $0x0  }
0x47: {  	s20 =	sadd.s32 s14, s8;
	[sflag:s28] =	ssyncadd.s32 $0xFFFFF800  }
0x48: {  	[hbm4b:s20+s29] =	stream.strided.scatter [tilespmem:s18], [sflag:$0x3], $0x2800, s30, s29, $0x38;
	[tilespmem:$0x1DBA0] =	vst v63  }
0x49: {  	p0 =	seq.s32 s14, $0x30C00;
	_ =	swait.ge [sflag:s15], $0x280  }
0x4a: {  	p1 =	seq.s32 @!p0 s14, $0x0;
	[sflag:s15] =	ssyncset.done $0x0  }
0x4b: {  	s19 =	simm.s32 @!p0 $0x0;
	s20 =	simm.s32 @!p0 $0x186A0;
	[sflag:s15] =	ssyncadd.s32 $0xFFFFFD80  }
0x4c: {  	[tilespmem:s20], [sflag:$0x2] =	stream.linear.gather @!p0 [hbm4b:s3+s19], $0x280, $0x38;
	[tilespmem:$0x1DBA0] =	vst v63  }
0x4d: {  	p0 =	por p0, !p1  }
0x4e: {  	_ =	swait.ge @p0 [sflag:s11], $0x2800  }
0x4f: {  	[sflag:s11] =	ssyncset.done @p0 $0x0  }
0x50: {  	[sflag:s11] =	ssyncadd.s32 @p0 $0xFFFFD800  }
0x51: {  	[tilespmem:s31], [sflag:$0x1] =	stream.indirect.gather [spmem:s2], $0x10, s16, s17, $0xb8;
	[tilespmem:$0x1DBA0] =	vst v63  }
0x52: {  	_ = 	snop  }
0x53: {  	[tilespmem:s1], [sflag:$0x1] =	stream.indirect.gather [spmem:s2], $0x10, s0, s17, $0xb8;
	[tilespmem:$0x1DBA0] =	vst v63  }
0x54: {  	_ = 	snop  }
0x55: {  	[tilespmem:s5], [sflag:$0x1] =	stream.indirect.gather [spmem:s2], $0x10, s4, s17, $0xb8;
	[tilespmem:$0x1DBA0] =	vst v63  }
0x56: {  	_ = 	snop  }
0x57: {  	[tilespmem:s7], [sflag:$0x1] =	stream.indirect.gather [spmem:s2], $0x10, s6, s17, $0xb8;
	[tilespmem:$0x1DBA0] =	vst v63  }
0x58: {  	_ = 	snop  }
0x59: {  	[tilespmem:s12], [sflag:$0x1] =	stream.indirect.gather [spmem:s2], $0x10, s9, s17, $0xb8;
	[tilespmem:$0x1DBA0] =	vst v63  }
0x5a: {  	_ =	swait.ge [sflag:s28], $0x800  }
0x5b: {  	[sflag:s28] =	ssyncset.done $0x0  }
0x5c: {  	[sflag:s28] =	ssyncadd.s32 $0xFFFFF800  }
0x5d: {  	_ =	swait.ge [sflag:s28], $0x800  }
0x5e: {  	[sflag:s28] =	ssyncset.done $0x0  }
0x5f: {  	[sflag:s28] =	ssyncadd.s32 $0xFFFFF800  }
0x60: {  	_ =	swait.ge [sflag:s28], $0x800  }
0x61: {  	[sflag:s28] =	ssyncset.done $0x0  }
0x62: {  	[sflag:s28] =	ssyncadd.s32 $0xFFFFF800  }
0x63: {  	s20 =	sadd.s32 s14, s10;
	s14 =	sadd.s32 $0x1400, s14;
	_ =	swait.ge [sflag:s28], $0x800  }
0x64: {  	p0 =	sne.s32 s14, $0x32000;
	[sflag:s28] =	ssyncset.done $0x0  }
.Ltmp0:
0x65: {  	[sflag:s28] =	ssyncadd.s32 $0xFFFFF800;
	(pc) =	sbr.rel @p0 .LBB2_2-.Ltmp0, $4  }
0x66: {  	_ =	swait.ge [sflag:s28], $0x800  }
0x67: {  	[sflag:s28] =	ssyncset.done $0x0  }
0x68: {  	s13 =	sadd.s32 $0xA0, s13;
	s3 =	sadd.s32 $0xA0, s3;
	[sflag:s28] =	ssyncadd.s32 $0xFFFFF800  }
0x69: {  	[hbm4b:s20+s29] =	stream.strided.scatter [tilespmem:s31], [sflag:$0x3], $0x2800, s30, s29, $0x38;
	[tilespmem:$0x1DBA0] =	vst v63  }
0x6a: {  	_ =	swait.ge [sflag:s11], $0x2800  }
0x6b: {  	[sflag:s11] =	ssyncset.done $0x0  }
0x6c: {  	[sflag:s11] =	ssyncadd.s32 $0xFFFFD800  }
0x6d: {  	_ =	swait.ge [sflag:s11], $0x2800  }
0x6e: {  	s13 =	rddreg [dreg:$0xb]  }
0x6f: {  	s3 =	rddreg [dreg:$0x7];
	s13 =	sadd.s32 $0x1, s13  }
0x70: {  	p0 =	sne.s32 s13, s3  }
.Ltmp1:
0x71: {  	_ = 	snop;
	(pc) =	sbr.rel @p0 .LBB2_1-.Ltmp1, $3  }
0x72: {  	_ =	sdelay $0x1  }
0x73: {  	[sflag:s11] =	ssyncset.done $0x0  }
0x74: {  	[sflag:s11] =	ssyncadd.s32 $0xFFFFD800  }
0x75: {  	_ =	sfence.sel $0x180000  }
0x76: {  	[bflag:$0x0] =	sbarrier.arrive $0xFFFF  }
0x77: {  	_ =	strace $0x90000047  }
0x78: {  	s0 =	stileid.u32;
	[bflag:$0x2] =	sbarrier.arrive $0xFFFF  }
0x79: {  	p0 =	sne.s32 s0, $0x0;
	s0 =	rddreg [dreg:$0x3]  }
0x7a: {  	s0 =	sadd.s32 @!p0 $0x100000, s0  }
0x7b: {  	[sflag:s0] =	ssyncadd.tile.s32 @!p0 $0x1;
	_ =	shalt  }
.Lfunc_end2:
_tile_overlayer_lowered:
.L_overlay_start_2:
0x7c: {  	(tag) =	ssettag $0x2  }
0x7d: {  	s0 =	rddreg [dreg:$0x0];
	s2 =	stileid.u32  }
0x7e: {  	s1 =	rddreg [dreg:$0x1];
	p0 =	sne.s32 s2, $0x0  }
0x7f: {  	s3 =	rddreg [dreg:$0x2];
	[bflag:$0x3] =	sbarrier.arrive $0xFFFF;
	s2 =	simm.s32 @!p0 $0x1C04  }
0x80: {  	[timem:s3], [sflag:s2] =	dma.local @!p0 [hbm:s0], s1  }
0x81: {  	s0 =	simm.s32 @!p0 $0x4  }
0x82: {  	_ =	swait.ge @!p0 [sflag:s0], s1  }
0x83: {  	s1 =	ssub.s32 @!p0 $0x0, s1;
	[sflag:s0] =	ssyncset.done @!p0 $0x0  }
0x84: {  	[sflag:s0] =	ssyncadd.s32 @!p0 s1  }
0x85: {  	[bflag:$0x3] =	sbarrier.arrive $0xFFFF  }
0x86: {  	_ =	shalt  }

// kernel: sparse-core-data-format-call.1.cloned.1.call-start
scs
called_computation.1_lowered:
.L_overlay_start_0:
0x0: {  	s2 =	sld [smem:$0x3FD9]  }
0x1: {  	s3 =	sld [smem:$0x3FFE];
	_ =	sdelay $0x1  }
0x2: {  	s1 =	srdreg.scid  }
0x3: {  	s0 =	sand.u32 $0x1, s1  }
0x4: {  	s18 =	sshll.u32 s0, $0xA;
	s2 =	sadd.s32 s3, s2  }
0x5: {  	s2 =	sadd.s32 s2, s18  }
0x6: {  	[smem:$0x3FC4] =	sst s2  }
0x7: {  	_ = 	snop  }
0x8: {  	s2 =	sld [smem:$0x3FD0];
	(tm) =	ssettm $0x1  }
0x9: {  	s19 =	sld [smem:$0x3FFB];
	_ =	sdelay $0x3  }
0xa: {  	_ =	strace s19  }
0xb: {  	s3 =	sld [smem:$0x3FFC];
	_ =	sdelay $0x3  }
0xc: {  	_ =	strace s3  }
0xd: {  	s3 =	sld [smem:$0x3FFD];
	_ =	sdelay $0x3  }
0xe: {  	_ =	strace s3  }
0xf: {  	_ =	strace $0x8FFFFFFF  }
0x10: {  	s20 =	sld [smem:$0x3FDB];
	_ =	sdelay $0x1  }
0x11: {  	s4 =	simm.s32 $_scs_section_size  }
0x12: {  	s5 =	simm.s32 $_size__tile_overlayer_lowered;
	s6 =	simm.s32 $_tile_overlayer_lowered  }
0x13: {  	s23 =	simm.s32 $0x1BFF;
	s22 =	sshll.u32 s6, $0x1;
	s3 =	sadd.s32 s4, s20  }
0x14: {  	s7 =	simm.s32 $0x0;
	s21 =	sshll.u32 s5, $0x1;
	s5 =	sadd.s32 s22, s3  }
0x15: {  	[timem:s7], [sflag:s23] =	dma.local [hbm:s5], s21  }
0x16: {  	_ =	swait.ge [sflag:s23], s21  }
0x17: {  	s4 =	ssub.s32 $0x0, s21;
	[sflag:s23] =	ssyncset.done $0x0  }
0x18: {  	[sflag:s23] =	ssyncadd.s32 s4;
	_ =	sdelay $0x1  }
0x19: {  	s24 =	simm.s32 $0x1B8B  }
0x1a: {  	_ =	swait.ge [sflag:s24], $0x1  }
0x1b: {  	[sflag:s24] =	ssyncset.done $0x0  }
0x1c: {  	s26 =	simm.s32 $0x1B8E;
	s25 =	sld [smem:$0x3FFE];
	[sflag:s24] =	ssyncadd.s32 $0xFFFFFFFF  }
0x1d: {  	s27 =	simm.s32 $execute0_lowered;
	[smem:$0x3FD2] =	sst s26  }
0x1e: {  	s5 =	sshll.u32 s27, $0x1;
	_ =	strace $0x80000049;
	[dreg:$0x1] =	wrdreg $0xFFFFFFFF  }
0x1f: {  	s28 =	simm.s32 $_size_execute0_lowered;
	s3 =	sadd.s32 s3, s5;
	[dreg:$0x0] =	wrdreg $0x0  }
0x20: {  	s5 =	sshll.u32 s28, $0x1;
	[dreg:$0x2] =	wrdreg s3  }
0x21: {  	[dreg:$0x3] =	wrdreg s5  }
0x22: {  	[dreg:$0x4] =	wrdreg $0xC0  }
0x23: {  	_ =	task [dreg:s7], $0x5FFFF  }
0x24: {  	[dreg:$0x1] =	wrdreg $0xFFFFFFFF  }
0x25: {  	[dreg:$0x0] =	wrdreg $0x60  }
0x26: {  	[dreg:$0x2] =	wrdreg s25  }
0x27: {  	[dreg:$0x3] =	wrdreg s2  }
0x28: {  	[dreg:$0x4] =	wrdreg $0x9  }
0x29: {  	_ =	task.clear_ibuf [dreg:s7], $0x5FFFF;
	_ =	strace $0x90000049  }
0x2a: {  	s29 =	simm.s32 $0x9;
	_ =	strace $0x8000004B  }
0x2b: {  	_ =	swait.ge [sflag:s29], $0x1  }
0x2c: {  	[sflag:s29] =	ssyncadd.s32 $0xFFFFFFFF  }
0x2d: {  	_ =	strace $0x9000004B  }
0x2e: {  	_ =	sfence  }
0x2f: {  	s30 =	sld [smem:$0x0];
	_ =	sdelay $0x2  }
0x30: {  	s31 =	sshll.u32 s1, $0xD;
	s1 =	sshrl.u32 s1, $0x2  }
0x31: {  	s3 =	sand.u32 $0x4000, s31;
	s1 =	sadd.s32 s1, s30  }
0x32: {  	s0 =	sor.u32 s3, s0;
	s1 =	sshll.u32 s1, $0x11  }
0x33: {  	s0 =	sor.u32 s1, s0  }
0x34: {  	s0 =	sadd.s32 $0x8F2B, s0  }
0x35: {  	[sflag:s0] =	ssyncadd.remote.s32 $0x1  }
0x36: {  	_ =	sfence.sel $0xFFFF  }
0x37: {  	[dreg:$0x0] =	wrdreg $0xFFFFFFFF;
	(pc) =	sbr.abs _section_cstart, $3  }
0x38: {  	[dreg:$0x1] =	wrdreg $0xFFFFFFFF  }
0x39: {  	_ =	task.clear_ibuf [dreg:s7], $0x2FFFF;
	_ =	strace $0x9FFFFFFF  }
0x3a: {  	(tm) =	ssettm $0x7FFFFFFF  }
0x3b: {  	_ =	shalt  }
tec
execute0_lowered:
.L_overlay_start_1:
0x0: {  	(tag) =	ssettag $0x1  }
0x1: {  	s0 =	srdreg.scid  }
0x2: {  	s1 =	sshll.u32 s0, $0x4  }
0x3: {  	s4 =	rddreg [dreg:$0x0];
	s0 =	stileid.u32;
	s1 =	sand.u32 $0x10, s1  }
0x4: {  	s2 =	rddreg [dreg:$0x1];
	s7 =	simm.s32 $0x1;
	s1 =	sor.u32 s0, s1  }
0x5: {  	s8 =	simm.s32 $0x2;
	s11 =	simm.s32 $0x0;
	s3 =	sshll.u32 s1, $0x7  }
0x6: {  	s10 =	simm.s32 $0x0;
	s4 =	sadd.s32 $0x1600, s4;
	s6 =	ssub.s32 $0xC8000, s3  }
.Ltmp0:
0x7: {  	s1 =	rddreg [dreg:$0x2];
	s5 =	sand.u32 $0xF80, s6;
	(pc) =	sbr.rel .LBB1_1-.Ltmp0, $4  }
0x8: {  	_ =	strace $0x8000004A;
	s9 =	smov.u32 s3;
	p0 =	sne.s32 s5, $0x0  }
0x9: {  	s6 =	sshrl.u32 s6, $0xC;
	s5 =	simm.s32 $0x1;
	s7 =	simm.s32 @!p0 $0x0  }
0xa: {  	[sflag:s5] =	ssyncpa.u1 $0x0;
	p0 =	por $0x0, $0x0;
	s6 =	sadd.s32 s7, s6  }
0xb: {  	[sflag:s8] =	ssyncpa.u1 $0x0;
	s8 =	simm.s32 $0x640000;
	s7 =	sadd.s32 $0x1, s6  }
.LBB1_4:
0xc: {  	s14 =	sshll.u32 s11, $0x3  }
0xd: {  	s30 =	sand.u32 $0x7F, s11;
	s15 =	sand.u32 $0xFFFFFC00, s14  }
0xe: {  	s11 =	sor.u32 s30, s15  }
0xf: {  	s15 =	smulhi.u32 $0x51EB851F, s11  }
0x10: {  	s14 =	smulhi.u32 $0x51EB851F, s14  }
0x11: {  	s15 =	sshrl.u32 s15, $0x12  }
0x12: {  	s14 =	sshrl.u32 s14, $0x12;
	s15 =	smul.u32 $0xC8000, s15  }
0x13: {  	s14 =	sand.u32 $0x1F, s14  }
0x14: {  	s14 =	smul.u32 $0x19000, s14;
	s11 =	ssub.s32 s11, s15  }
0x15: {  	s15 =	sand.u32 $0x7, s11  }
0x16: {  	s14 =	sadd.s32 s2, s14;
	s11 =	sshrl.u32 s11, $0x3;
	s15 =	sshll.u32 s15, $0x12  }
0x17: {  	[tilespmem:s13+$0x0 ss:$0x81] =	vst.msk $0xffff, v0;
	s11 =	sadd.s32 s11, s14;
	s31 =	sor.u32 $0x400, s15  }
0x18: {  	[hbm4b:s11+s31] =	stream.strided.scatter [tilespmem:s12], [sflag:$0x2], $0x1000, s8, s31, $0x20;
	[tilespmem:$0x4040] =	vst v63  }
.LBB1_5:
0x19: {  	s13 =	sadd.s32 $0x1000, s9  }
0x1a: {  	p2 =	sgt.s32 s13, $0xC7FFF  }
0x1b: {  	s13 =	smov.u32 @p2 s3;
	p2 =	sne.s32 s10, s7  }
.Ltmp1:
0x1c: {  	p1 =	slt.u32 s10, $0x2;
	(pc) =	sbr.rel @!p2 .LBB1_6-.Ltmp1, $4  }
0x1d: {  	s12 =	simm.s32 @!p1 $0x2  }
0x1e: {  	s14 =	sadd.s32 $0x1, s10;
	_ =	swait.ge @!p1 [sflag:s12], $0x1000  }
0x1f: {  	s11 =	smov.u32 s9;
	p0 =	por !p0, !p0;
	[sflag:s12] =	ssyncset.done @!p1 $0x0  }
0x20: {  	s10 =	smov.u32 s14;
	s9 =	smov.u32 s13;
	[sflag:s12] =	ssyncadd.s32 @!p1 $0xFFFFF000  }
.LBB1_1:
0x21: {  	p1 =	sge.u32 s10, s6  }
0x22: {  	s12 =	sand.u32 @!p1 $0x1FFFFFF, s9  }
0x23: {  	s13 =	smulhi.u32 @!p1 $0x147AE15, s12;
	_ =	sdelay $0x1  }
0x24: {  	s13 =	sshrl.u32 @!p1 s13, $0xC  }
0x25: {  	s13 =	smul.u32 @!p1 $0xC8000, s13;
	_ =	sdelay $0x1  }
0x26: {  	s31 =	sadd.s32 $0xFFFFFFFF, s10;
	s14 =	sxor.u32 @!p1 $0xFFFFFFFF, s10;
	s12 =	ssub.s32 @!p1 s12, s13  }
0x27: {  	s15 =	simm.s32 @!p1 $0x80;
	s14 =	sshll.u32 @!p1 s14, $0xC;
	s12 =	sshll.u32 @!p1 s12, $0x4  }
0x28: {  	s13 =	sand.u32 @!p1 $0x1000, s14;
	s14 =	simm.s32 @!p1 $0x20;
	s12 =	sadd.s32 @!p1 s4, s12  }
0x29: {  	[tilespmem:s13], [sflag:$0x1] =	stream.strided.gather @!p1 [hbm4b:s12+s14], $0x1000, s15, s14, $0x38;
	[tilespmem:$0x4040] =	vst v63  }
0x2a: {  	p1 =	sge.u32 s31, s6  }
.Ltmp2:
0x2b: {  	_ = 	snop;
	(pc) =	sbr.rel @p1 .LBB1_5-.Ltmp2, $1  }
0x2c: {  	_ =	sdelay $0x3  }
0x2d: {  	s12 =	simm.s32 $0x1  }
0x2e: {  	_ =	swait.ge [sflag:s5], $0x1000;
	s12 =	simm.s32 @!p0 $0x0  }
0x2f: {  	[sflag:s5] =	ssyncset.done $0x0;
	s13 =	sshll.u32 s12, $0xC  }
0x30: {  	[sflag:s5] =	ssyncadd.s32 $0xFFFFF000;
	s16 =	sor.u32 $0x10, s13  }
0x31: {  	s12 =	smul.u32 $0x4080, s12;
	v1 =	vld [tilespmem:s16+$0x0]  }
0x32: {  	s30 =	sand.u32 $0x1, s10;
	v0 =	vld [tilespmem:s16+$0xFFFFFFF0]  }
0x33: {  	s13 =	smul.u32 $0x4080, s30;
	s12 =	sshrl.u32 s12, $0x2  }
0x34: {  	s14 =	sor.u32 $0x2000, s12  }
0x35: {  	s31 =	sshrl.u32 s13, $0x2;
	s13 =	sadd.s32 $0x0, s14  }
0x36: {  	s15 =	simm.s32 $0x4;
	s16 =	sadd.s32 $0x20, s16;
	s12 =	sor.u32 $0x2000, s31;
	[tilespmem:s13+$0x810 ss:$0x81] =	vst.msk $0xffff, v1  }
.LBB1_3:
0x37: {  	v1 =	vld [tilespmem:s16+$0x0];
	p1 =	sne.s32 s15, $0x1FC;
	[tilespmem:s13+$0x0 ss:$0x81] =	vst.msk $0xffff, v0;
	s13 =	smov.u32 s15;
	s15 =	sadd.s32 $0x4, s15  }
.Ltmp3:
0x38: {  	v0 =	vld [tilespmem:s16+$0xFFFFFFF0];
	(pc) =	sbr.rel @p1 .LBB1_3-.Ltmp3, $4  }
0x39: {  	_ = 	snop  }
0x3a: {  	s13 =	sshra.s32 s13, $0x2  }
0x3b: {  	s13 =	sadd.s32 s13, s14  }
0x3c: {  	s16 =	sadd.s32 $0x20, s16;
	[tilespmem:s13+$0x810 ss:$0x81] =	vst.msk $0xffff, v1  }
.Ltmp4:
0x3d: {  	_ = 	snop;
	(pc) =	sbr.rel .LBB1_4-.Ltmp4, $1  }
0x3e: {  	_ =	sdelay $0x3  }
.LBB1_6:
0x3f: {  	_ =	sfence.sel $0x180000  }
0x40: {  	s2 =	simm.s32 $0x1;
	[bflag:$0x0] =	sbarrier.arrive $0xFFFF  }
0x41: {  	s31 =	simm.s32 $0x2;
	[sflag:s2] =	ssyncpa.u1 $0x1  }
0x42: {  	[sflag:s31] =	ssyncpa.u1 $0x1  }
0x43: {  	p0 =	sne.s32 s0, $0x0;
	_ =	strace $0x9000004A  }
0x44: {  	s0 =	sadd.s32 @!p0 $0x100000, s1;
	[bflag:$0x2] =	sbarrier.arrive $0xFFFF  }
0x45: {  	[sflag:s0] =	ssyncadd.tile.s32 @!p0 $0x1;
	_ =	shalt  }
.Lfunc_end1:
_tile_overlayer_lowered:
.L_overlay_start_2:
0x46: {  	(tag) =	ssettag $0x2  }
0x47: {  	s0 =	rddreg [dreg:$0x0];
	s2 =	stileid.u32  }
0x48: {  	s1 =	rddreg [dreg:$0x1];
	p0 =	sne.s32 s2, $0x0  }
0x49: {  	s3 =	rddreg [dreg:$0x2];
	[bflag:$0x3] =	sbarrier.arrive $0xFFFF;
	s2 =	simm.s32 @!p0 $0x1C01  }
0x4a: {  	[timem:s3], [sflag:s2] =	dma.local @!p0 [hbm:s0], s1  }
0x4b: {  	s0 =	simm.s32 @!p0 $0x1  }
0x4c: {  	_ =	swait.ge @!p0 [sflag:s0], s1  }
0x4d: {  	s1 =	ssub.s32 @!p0 $0x0, s1;
	[sflag:s0] =	ssyncset.done @!p0 $0x0  }
0x4e: {  	[sflag:s0] =	ssyncadd.s32 @!p0 s1  }
0x4f: {  	[bflag:$0x3] =	sbarrier.arrive $0xFFFF  }
0x50: {  	_ =	shalt  }

// kernel: sparse-core-data-format-call.cloned.1.call-start
scs
called_computation_lowered:
.L_overlay_start_0:
0x0: {  	s2 =	sld [smem:$0x3FD9]  }
0x1: {  	s3 =	sld [smem:$0x3FFE];
	_ =	sdelay $0x1  }
0x2: {  	s1 =	srdreg.scid  }
0x3: {  	s0 =	sand.u32 $0x1, s1  }
0x4: {  	s18 =	sshll.u32 s0, $0xA;
	s2 =	sadd.s32 s3, s2  }
0x5: {  	s2 =	sadd.s32 s2, s18  }
0x6: {  	[smem:$0x3FC4] =	sst s2  }
0x7: {  	_ = 	snop  }
0x8: {  	s2 =	sld [smem:$0x3FD0];
	(tm) =	ssettm $0x1  }
0x9: {  	s19 =	sld [smem:$0x3FFB];
	_ =	sdelay $0x3  }
0xa: {  	_ =	strace s19  }
0xb: {  	s3 =	sld [smem:$0x3FFC];
	_ =	sdelay $0x3  }
0xc: {  	_ =	strace s3  }
0xd: {  	s3 =	sld [smem:$0x3FFD];
	_ =	sdelay $0x3  }
0xe: {  	_ =	strace s3  }
0xf: {  	_ =	strace $0x8FFFFFFF  }
0x10: {  	s20 =	sld [smem:$0x3FDB];
	_ =	sdelay $0x1  }
0x11: {  	s4 =	simm.s32 $_scs_section_size  }
0x12: {  	s5 =	simm.s32 $_size__tile_overlayer_lowered;
	s6 =	simm.s32 $_tile_overlayer_lowered  }
0x13: {  	s23 =	simm.s32 $0x1BFF;
	s22 =	sshll.u32 s6, $0x1;
	s3 =	sadd.s32 s4, s20  }
0x14: {  	s7 =	simm.s32 $0x0;
	s21 =	sshll.u32 s5, $0x1;
	s5 =	sadd.s32 s22, s3  }
0x15: {  	[timem:s7], [sflag:s23] =	dma.local [hbm:s5], s21  }
0x16: {  	_ =	swait.ge [sflag:s23], s21  }
0x17: {  	s4 =	ssub.s32 $0x0, s21;
	[sflag:s23] =	ssyncset.done $0x0  }
0x18: {  	[sflag:s23] =	ssyncadd.s32 s4;
	_ =	sdelay $0x1  }
0x19: {  	s24 =	simm.s32 $0x1B8B  }
0x1a: {  	_ =	swait.ge [sflag:s24], $0x1  }
0x1b: {  	[sflag:s24] =	ssyncset.done $0x0  }
0x1c: {  	s26 =	simm.s32 $0x1B8E;
	s25 =	sld [smem:$0x3FFE];
	[sflag:s24] =	ssyncadd.s32 $0xFFFFFFFF  }
0x1d: {  	s27 =	simm.s32 $execute0_lowered;
	[smem:$0x3FD2] =	sst s26  }
0x1e: {  	s5 =	sshll.u32 s27, $0x1;
	_ =	strace $0x8000004C;
	[dreg:$0x1] =	wrdreg $0xFFFFFFFF  }
0x1f: {  	s28 =	simm.s32 $_size_execute0_lowered;
	s3 =	sadd.s32 s3, s5;
	[dreg:$0x0] =	wrdreg $0x0  }
0x20: {  	s5 =	sshll.u32 s28, $0x1;
	[dreg:$0x2] =	wrdreg s3  }
0x21: {  	[dreg:$0x3] =	wrdreg s5  }
0x22: {  	[dreg:$0x4] =	wrdreg $0xC0  }
0x23: {  	_ =	task [dreg:s7], $0x5FFFF  }
0x24: {  	[dreg:$0x1] =	wrdreg $0xFFFFFFFF  }
0x25: {  	[dreg:$0x0] =	wrdreg $0x60  }
0x26: {  	[dreg:$0x2] =	wrdreg s25  }
0x27: {  	[dreg:$0x3] =	wrdreg s2  }
0x28: {  	[dreg:$0x4] =	wrdreg $0x9  }
0x29: {  	_ =	task.clear_ibuf [dreg:s7], $0x5FFFF;
	_ =	strace $0x9000004C  }
0x2a: {  	s29 =	simm.s32 $0x9;
	_ =	strace $0x8000004E  }
0x2b: {  	_ =	swait.ge [sflag:s29], $0x1  }
0x2c: {  	[sflag:s29] =	ssyncadd.s32 $0xFFFFFFFF  }
0x2d: {  	_ =	strace $0x9000004E  }
0x2e: {  	_ =	sfence  }
0x2f: {  	s30 =	sld [smem:$0x0];
	_ =	sdelay $0x2  }
0x30: {  	s31 =	sshll.u32 s1, $0xD;
	s1 =	sshrl.u32 s1, $0x2  }
0x31: {  	s3 =	sand.u32 $0x4000, s31;
	s1 =	sadd.s32 s1, s30  }
0x32: {  	s0 =	sor.u32 s3, s0;
	s1 =	sshll.u32 s1, $0x11  }
0x33: {  	s0 =	sor.u32 s1, s0  }
0x34: {  	s0 =	sadd.s32 $0x8F2B, s0  }
0x35: {  	[sflag:s0] =	ssyncadd.remote.s32 $0x1  }
0x36: {  	_ =	sfence.sel $0xFFFF  }
0x37: {  	[dreg:$0x0] =	wrdreg $0xFFFFFFFF;
	(pc) =	sbr.abs _section_cstart, $3  }
0x38: {  	[dreg:$0x1] =	wrdreg $0xFFFFFFFF  }
0x39: {  	_ =	task.clear_ibuf [dreg:s7], $0x2FFFF;
	_ =	strace $0x9FFFFFFF  }
0x3a: {  	(tm) =	ssettm $0x7FFFFFFF  }
0x3b: {  	_ =	shalt  }
tec
execute0_lowered:
.L_overlay_start_1:
0x0: {  	(tag) =	ssettag $0x1  }
0x1: {  	s8 =	rddreg [dreg:$0x0]  }
0x2: {  	s2 =	rddreg [dreg:$0x1];
	s1 =	stileid.u32  }
0x3: {  	s4 =	srdreg.scid;
	s0 =	rddreg [dreg:$0x2];
	_ =	strace $0x8000004D  }
0x4: {  	s9 =	simm.s32 $0x1;
	s31 =	simm.s32 $0x2;
	s16 =	simm.s32 $0x0  }
0x5: {  	s17 =	simm.s32 $0x0;
	s11 =	simm.s32 $0x0;
	s12 =	simm.s32 $0x0  }
0x6: {  	s15 =	simm.s32 $0x0;
	s3 =	sshll.u32 s1, $0x1;
	s4 =	sshll.u32 s4, $0x7  }
0x7: {  	s4 =	sand.u32 $0x80, s4;
	s5 =	ssub.s32 $0x20, s3;
	s14 =	smov.u32 s3  }
0x8: {  	s6 =	sshrl.u32 s5, $0x5;
	s5 =	sand.u32 $0x1E, s5;
	s7 =	ssub.s32 $0x4000, s4  }
0x9: {  	p0 =	sne.s32 s5, $0x0;
	s30 =	sshrl.u32 s7, $0x7;
	s7 =	sshrl.u32 s7, $0x8  }
.Ltmp0:
0xa: {  	s9 =	simm.s32 @!p0 $0x0;
	s10 =	sand.u32 $0x1, s30;
	(pc) =	sbr.rel .LBB1_1-.Ltmp0, $4  }
0xb: {  	s5 =	simm.s32 $0x1;
	s6 =	sadd.s32 s9, s6;
	s7 =	sadd.s32 s7, s10  }
0xc: {  	s13 =	smov.u32 s4;
	[sflag:s5] =	ssyncpa.u1 $0x0;
	s6 =	smul.u32 s6, s7  }
0xd: {  	p0 =	por $0x0, $0x0;
	[sflag:s31] =	ssyncpa.u1 $0x0;
	s10 =	simm.s32 $0x80000  }
0xe: {  	s7 =	sadd.s32 $0x1600, s8;
	s8 =	sadd.s32 $0x41600, s8;
	s9 =	sadd.s32 $0x1, s6  }
.LBB1_7:
0xf: {  	p1 =	slt.u32 s15, $0x2  }
0x10: {  	s19 =	smov.u32 s17;
	p2 =	sgt.s32 @!p1 s17, $0x1E;
	s18 =	sshra.s32 @!p1 s17, $0x1F  }
0x11: {  	p3 =	sgt.s32 @!p1 s16, $0x3F80;
	s20 =	sshra.s32 @!p1 s16, $0x1F;
	p2 =	por !p2, p1  }
0x12: {  	s17 =	sand.u32 @!p1 s18, s17;
	p3 =	por !p3, p1;
	s18 =	smov.u32 s16  }
0x13: {  	s16 =	sand.u32 @!p1 s20, s16;
	s19 =	simm.s32 @p2 $0x1E;
	s18 =	simm.s32 @p3 $0x3F80  }
0x14: {  	s20 =	smov.u32 s14;
	s17 =	ssub.s32 @!p1 s19, s17;
	s16 =	ssub.s32 @!p1 s18, s16  }
0x15: {  	s18 =	sadd.s32 @!p1 $0xFFFFFFE2, s17;
	s17 =	ssub.s32 @!p1 $0x20, s17;
	s19 =	sadd.s32 @!p1 $0xFFFFC080, s16  }
0x16: {  	p2 =	sgt.s32 @!p1 s18, $0x1;
	s17 =	smul.u32 @!p1 $0x32, s17;
	p3 =	sgt.s32 @!p1 s19, $0x7F  }
0x17: {  	s16 =	ssub.s32 @!p1 $0x4000, s16;
	p2 =	por !p2, p1;
	p3 =	por !p3, p1  }
0x18: {  	s18 =	sadd.s32 $0x100, s13;
	s17 =	simm.s32 @!p2 $0x0;
	s16 =	simm.s32 @!p3 $0x0  }
0x19: {  	p2 =	sgt.s32 s18, $0x3FFF;
	s16 =	smul.u32 @!p1 s16, s17;
	s17 =	sadd.s32 $0x20, s14  }
0x1a: {  	s20 =	smov.u32 @p2 s17  }
0x1b: {  	s18 =	smov.u32 @p2 s4;
	p2 =	sgt.s32 s20, $0x1F  }
0x1c: {  	s20 =	smov.u32 @p2 s3;
	p2 =	sne.s32 s15, s9  }
.Ltmp1:
0x1d: {  	p0 =	por !p0, !p0;
	s19 =	simm.s32 @!p1 $0x2;
	(pc) =	sbr.rel @!p2 .LBB1_8-.Ltmp1, $4  }
0x1e: {  	s17 =	smov.u32 s12;
	s12 =	smov.u32 s14;
	s16 =	sand.u32 @!p1 $0x3FFFFFFE, s16  }
0x1f: {  	_ =	swait.ge @!p1 [sflag:s19], s16;
	s21 =	ssub.s32 @!p1 $0x0, s16;
	s16 =	smov.u32 s11  }
0x20: {  	s15 =	sadd.s32 $0x1, s15;
	s11 =	smov.u32 s13;
	[sflag:s19] =	ssyncset.done @!p1 $0x0  }
0x21: {  	s13 =	smov.u32 s18;
	s14 =	smov.u32 s20;
	[sflag:s19] =	ssyncadd.s32 @!p1 s21  }
.LBB1_1:
0x22: {  	p1 =	sge.u32 s15, s6  }
0x23: {  	s18 =	sxor.u32 @!p1 $0xFFFFFFFF, s15;
	s19 =	sshll.u32 @!p1 s14, $0x12  }
0x24: {  	s20 =	sshll.u32 @!p1 s13, $0x4;
	s22 =	simm.s32 @!p1 $0x40;
	s23 =	simm.s32 @!p1 $0x80  }
0x25: {  	s18 =	sshll.u32 @!p1 s18, $0xE;
	s20 =	sand.u32 @!p1 $0x3FFF0, s20;
	s21 =	sadd.s32 @!p1 s7, s19  }
0x26: {  	s19 =	sadd.s32 @!p1 s19, s8;
	s18 =	sand.u32 @!p1 $0x4000, s18;
	s21 =	sadd.s32 @!p1 s20, s21  }
0x27: {  	[tilespmem:s18], [sflag:$0x1] =	stream.strided.gather @!p1 [hbm4b:s21+s22], $0x2000, s23, s22, $0x38;
	[tilespmem:$0x10100] =	vst v63  }
0x28: {  	s31 =	sadd.s32 $0xFFFFFFFF, s15;
	s19 =	sadd.s32 @!p1 s20, s19;
	s18 =	sor.u32 @!p1 $0x2000, s18  }
0x29: {  	[tilespmem:s18], [sflag:$0x1] =	stream.strided.gather @!p1 [hbm4b:s19+s22], $0x2000, s23, s22, $0x38;
	[tilespmem:$0x10100] =	vst v63  }
0x2a: {  	p1 =	sge.u32 s31, s6  }
.Ltmp2:
0x2b: {  	_ = 	snop;
	(pc) =	sbr.rel @p1 .LBB1_7-.Ltmp2, $1  }
0x2c: {  	_ =	sdelay $0x3  }
0x2d: {  	s18 =	simm.s32 $0x1;
	s20 =	sand.u32 $0x1, s15  }
0x2e: {  	_ =	swait.ge [sflag:s5], $0x4000;
	s18 =	simm.s32 @!p0 $0x0;
	s20 =	smul.u32 $0x10200, s20  }
0x2f: {  	p2 =	por $0x1, $0x1;
	[sflag:s5] =	ssyncset.done $0x0;
	s19 =	smul.u32 $0x10200, s18  }
0x30: {  	s21 =	sshll.u32 s18, $0x10;
	[sflag:s5] =	ssyncadd.s32 $0xFFFFC000;
	s30 =	sshrl.u32 s20, $0x2  }
0x31: {  	s31 =	sshrl.u32 s21, $0x2;
	s21 =	simm.s32 $0x0;
	s19 =	sshrl.u32 s19, $0x2  }
0x32: {  	s18 =	sor.u32 $0x8000, s30;
	s20 =	sadd.s32 $0x20, s31;
	s19 =	sor.u32 $0x8000, s19  }
.LBB1_3:
0x33: {  	s22 =	sshll.u32 s21, $0xD  }
0x34: {  	s22 =	sand.u32 $0x3FFFE000, s22  }
0x35: {  	s24 =	sadd.s32 s22, s20  }
0x36: {  	s31 =	smul.u32 $0x204, s21;
	v3 =	vld [tilespmem:s24+$0x10]  }
0x37: {  	v1 =	vld [tilespmem:s24+$0xFFFFFFF0]  }
0x38: {  	s21 =	sshra.s32 s31, $0x2;
	v0 =	vld [tilespmem:s24+$0x0]  }
0x39: {  	s21 =	sadd.s32 s21, s19;
	v2 =	vld [tilespmem:s24+$0xFFFFFFE0]  }
0x3a: {  	s22 =	sadd.s32 $0x0, s21  }
0x3b: {  	p1 =	por p2, p2;
	s23 =	simm.s32 $0x4;
	s24 =	sadd.s32 $0x40, s24;
	[tilespmem:s22+$0x3060 ss:$0x102] =	vst.msk $0xffff, v3  }
.LBB1_4:
0x3c: {  	v3 =	vld [tilespmem:s24+$0x10];
	p2 =	sne.s32 s23, $0x1FC;
	[tilespmem:s22+$0x1020 ss:$0x102] =	vst.msk $0xffff, v1;
	s25 =	smov.u32 s23;
	s23 =	sadd.s32 $0x4, s23  }
.Ltmp3:
0x3d: {  	v1 =	vld [tilespmem:s24+$0xFFFFFFF0];
	[tilespmem:s22+$0x2040 ss:$0x102] =	vst.msk $0xffff, v0;
	(pc) =	sbr.rel @p2 .LBB1_4-.Ltmp3, $4  }
0x3e: {  	v0 =	vld [tilespmem:s24+$0x0];
	[tilespmem:s22+$0x0 ss:$0x102] =	vst.msk $0xffff, v2  }
0x3f: {  	s22 =	sshra.s32 s25, $0x2;
	v2 =	vld [tilespmem:s24+$0xFFFFFFE0]  }
0x40: {  	s22 =	sadd.s32 s22, s21  }
0x41: {  	s24 =	sadd.s32 $0x40, s24;
	[tilespmem:s22+$0x3060 ss:$0x102] =	vst.msk $0xffff, v3  }
.Ltmp4:
0x42: {  	(pc) =	sbr.rel @p1 .LBB1_3-.Ltmp4, $4  }
0x43: {  	_ = 	snop  }
0x44: {  	[tilespmem:s22+$0x1020 ss:$0x102] =	vst.msk $0xffff, v1  }
0x45: {  	[tilespmem:s22+$0x2040 ss:$0x102] =	vst.msk $0xffff, v0  }
0x46: {  	s21 =	simm.s32 $0x1;
	p2 =	por $0x0, $0x0;
	[tilespmem:s22+$0x0 ss:$0x102] =	vst.msk $0xffff, v2  }
0x47: {  	s19 =	sand.u32 $0x78, s11;
	p1 =	sgt.s32 s12, $0x1E;
	s20 =	smov.u32 s12  }
0x48: {  	s21 =	sshra.s32 s12, $0x1F;
	s22 =	sshll.u32 s12, $0xE;
	s23 =	sshll.u32 s11, $0x3  }
0x49: {  	s30 =	sshra.s32 s11, $0x1F;
	s25 =	sshll.u32 s12, $0x7;
	s20 =	simm.s32 @!p1 $0x1E  }
0x4a: {  	s21 =	sand.u32 s21, s12;
	s22 =	sand.u32 $0x60000, s22;
	p1 =	sgt.s32 s11, $0x3F80  }
0x4b: {  	s25 =	sand.u32 $0x380, s25;
	s20 =	ssub.s32 s20, s21;
	s21 =	smov.u32 s11  }
0x4c: {  	s22 =	sadd.s32 s22, s23;
	s24 =	sadd.s32 $0xFFFFFFE2, s20;
	s21 =	simm.s32 @!p1 $0x3F80  }
0x4d: {  	s20 =	ssub.s32 $0x20, s20;
	p1 =	sgt.s32 s24, $0x1;
	s24 =	sand.u32 s30, s11  }
0x4e: {  	s23 =	sand.u32 $0x3C00, s23;
	s20 =	smul.u32 $0x32, s20;
	s21 =	ssub.s32 s21, s24  }
0x4f: {  	s19 =	sor.u32 s25, s19;
	s22 =	sand.u32 $0x7C000, s22;
	s24 =	sadd.s32 $0xFFFFC080, s21  }
0x50: {  	s20 =	simm.s32 @p1 $0x0;
	s21 =	ssub.s32 $0x4000, s21;
	p1 =	sgt.s32 s24, $0x7F  }
.Ltmp5:
0x51: {  	s19 =	sor.u32 s23, s19;
	s21 =	simm.s32 @p1 $0x0;
	(pc) =	sbr.rel .LBB1_7-.Ltmp5, $4  }
0x52: {  	s31 =	sand.u32 $0x7, s11;
	s19 =	sor.u32 s22, s19;
	s20 =	smul.u32 s21, s20  }
0x53: {  	s19 =	sshrl.u32 s19, $0x3;
	s21 =	sshll.u32 s31, $0x12  }
0x54: {  	s19 =	sadd.s32 s2, s19;
	s21 =	sor.u32 $0x100, s21;
	s20 =	sand.u32 $0x3FFFFFFE, s20  }
0x55: {  	[hbm4b:s19+s21] =	stream.strided.scatter [tilespmem:s18], [sflag:$0x2], s20, s10, s21, $0x20;
	[tilespmem:$0x10100] =	vst v63  }
.LBB1_8:
0x56: {  	_ =	sfence.sel $0x180000  }
0x57: {  	s2 =	simm.s32 $0x1;
	[bflag:$0x0] =	sbarrier.arrive $0xFFFF  }
0x58: {  	s31 =	simm.s32 $0x2;
	[sflag:s2] =	ssyncpa.u1 $0x1  }
0x59: {  	[sflag:s31] =	ssyncpa.u1 $0x1  }
0x5a: {  	p0 =	sne.s32 s1, $0x0;
	_ =	strace $0x9000004D  }
0x5b: {  	s0 =	sadd.s32 @!p0 $0x100000, s0;
	[bflag:$0x2] =	sbarrier.arrive $0xFFFF  }
0x5c: {  	[sflag:s0] =	ssyncadd.tile.s32 @!p0 $0x1;
	_ =	shalt  }
.Lfunc_end1:
_tile_overlayer_lowered:
.L_overlay_start_2:
0x5d: {  	(tag) =	ssettag $0x2  }
0x5e: {  	s0 =	rddreg [dreg:$0x0];
	s2 =	stileid.u32  }
0x5f: {  	s1 =	rddreg [dreg:$0x1];
	p0 =	sne.s32 s2, $0x0  }
0x60: {  	s3 =	rddreg [dreg:$0x2];
	[bflag:$0x3] =	sbarrier.arrive $0xFFFF;
	s2 =	simm.s32 @!p0 $0x1C01  }
0x61: {  	[timem:s3], [sflag:s2] =	dma.local @!p0 [hbm:s0], s1  }
0x62: {  	s0 =	simm.s32 @!p0 $0x1  }
0x63: {  	_ =	swait.ge @!p0 [sflag:s0], s1  }
0x64: {  	s1 =	ssub.s32 @!p0 $0x0, s1;
	[sflag:s0] =	ssyncset.done @!p0 $0x0  }
0x65: {  	[sflag:s0] =	ssyncadd.s32 @!p0 s1  }
0x66: {  	[bflag:$0x3] =	sbarrier.arrive $0xFFFF  }
0x67: {  	_ =	shalt  }

</sc_bundles>
